<compile_context>
chip_gen: v7x
topology: tpu7x:2x2x1
jax: 0.10.2.dev20260603
libtpu: 0.0.44.dev20260713+nightly
codegen_flags: <defaults>
</compile_context>

<pallas_src>
import dataclasses
import functools

import numpy as np

import jax
import jax.numpy as jnp
from jax import lax
from jax.experimental import pallas as pl
from jax.experimental.pallas import tpu as pltpu
from jax.experimental.pallas import tpu_sc as plsc

_NUM_CLASSES = 1000
_PAD = 1024
_BATCH = 16384
_FEAT = 128
_LANES = 16
_NC = 2
_NS = 16
_ROWS_PER_TILE = _BATCH // (_NC * _NS)
_CHUNK = 128
_NCHUNK = _ROWS_PER_TILE // _CHUNK
_INIT_ROWS = _PAD // _NS
_HROWS = _PAD // _FEAT
_STATS = _HROWS

_ZEROS_NP = np.zeros((_PAD, _FEAT), np.float32)
_IDX8_NP = np.arange(_HROWS, dtype=np.int32)


def _sc_segment_sums(x, t2, zeros_hbm, idx8_hbm):
    mesh = plsc.VectorSubcoreMesh(core_axis_name="c", subcore_axis_name="s")
    cp = pltpu.CompilerParams()
    if "needs_layout_passes" in pltpu.CompilerParams.__dataclass_fields__:
        cp = dataclasses.replace(cp, needs_layout_passes=False)

    @functools.partial(
        pl.kernel,
        out_type=(
            jax.ShapeDtypeStruct((_NC, _PAD, _FEAT), jnp.float32),
            jax.ShapeDtypeStruct((_NC, _STATS, _FEAT), jnp.float32),
        ),
        mesh=mesh,
        compiler_params=cp,
        scratch_types=[
            pltpu.VMEM_SHARED((_PAD, _FEAT), jnp.float32),
            pltpu.VMEM_SHARED((_STATS, _FEAT), jnp.float32),
            pltpu.VMEM((_NCHUNK, _CHUNK), jnp.int32),
            pltpu.VMEM((_NCHUNK, _CHUNK, _FEAT), jnp.float32),
            pltpu.VMEM((_HROWS, _FEAT), jnp.float32),
            pltpu.VMEM((_HROWS,), jnp.int32),
            [pltpu.SemaphoreType.DMA] * _NCHUNK,
            pltpu.SemaphoreType.DMA,
            pltpu.SemaphoreType.DMA,
        ],
    )
    def k(x_hbm, t_hbm, z_hbm, idx8_hbm_ref, out_s, out_stats,
          acc, stats, idx_v, rows_v, cnt_tile, idx8,
          sem_in, sem_sc, sem_init):
        core = lax.axis_index("c")
        sub = lax.axis_index("s")
        r0 = sub * _INIT_ROWS
        trow = core * (_NS * _NCHUNK) + sub * _NCHUNK
        row_base = core * (_BATCH // _NC) + sub * _ROWS_PER_TILE

        cps = [
            pltpu.async_copy(
                x_hbm.at[pl.ds(row_base + j * _CHUNK, _CHUNK)],
                rows_v.at[j], sem_in[j])
            for j in range(_NCHUNK)
        ]
        cp_idx = pltpu.async_copy(t_hbm.at[pl.ds(trow, _NCHUNK)], idx_v,
                                  sem_init)
        cp_idx8 = pltpu.async_copy(idx8_hbm_ref, idx8, sem_init)

        i16 = lax.iota(jnp.int32, _LANES)
        zero16 = (i16 * 0).astype(jnp.float32)
        one16 = zero16 + 1.0

        for r in range(_HROWS):
            for kk in range(_FEAT // _LANES):
                cnt_tile[r, pl.ds(kk * _LANES, _LANES)] = zero16

        with jax.named_scope("init_wait"):
            iz1 = pltpu.async_copy(z_hbm.at[pl.ds(r0, _INIT_ROWS)],
                                   acc.at[pl.ds(r0, _INIT_ROWS)], sem_init)

            @pl.when(sub == 0)
            def _():
                pltpu.async_copy(z_hbm.at[pl.ds(0, _STATS)], stats,
                                 sem_init).wait()

            iz1.wait()
            cp_idx.wait()
            cp_idx8.wait()

        with jax.named_scope("histogram"):
            def hist_step(i, carry):
                j = i // (_CHUNK // _LANES)
                kk = lax.rem(i, _CHUNK // _LANES)
                t16 = idx_v[j, pl.ds(kk * _LANES, _LANES)]
                rows = lax.shift_right_logical(t16, 7)
                cols = lax.bitwise_and(t16, _FEAT - 1)
                plsc.addupdate_scatter(cnt_tile, [rows, cols], one16)
                return carry

            lax.fori_loop(0, _ROWS_PER_TILE // _LANES, hist_step, 0)
            plsc.subcore_barrier()
            cm = pltpu.async_copy(cnt_tile, stats.at[idx8], sem_sc, add=True)

        scs = [cm]

        with jax.named_scope("scatter"):
            for j in range(_NCHUNK):
                cps[j].wait()
                scs.append(pltpu.async_copy(rows_v.at[j], acc.at[idx_v.at[j]],
                                            sem_sc, add=True))

        with jax.named_scope("drain"):
            for d in scs:
                d.wait()
            plsc.subcore_barrier()

        with jax.named_scope("writeout"):
            o1 = pltpu.async_copy(acc.at[pl.ds(r0, _INIT_ROWS)],
                                  out_s.at[core, pl.ds(r0, _INIT_ROWS)],
                                  sem_init)

            @pl.when(sub == 0)
            def _():
                pltpu.async_copy(stats, out_stats.at[core], sem_init).wait()

            o1.wait()

    return k(x, t2, zeros_hbm, idx8_hbm)


def _sumsq(x):
    def body(x_ref, o_ref):
        @pl.when(pl.program_id(0) == 0)
        def _():
            o_ref[...] = jnp.zeros_like(o_ref)
        xb = x_ref[...]
        o_ref[...] += jnp.sum(xb * xb, axis=0, keepdims=True)

    return pl.pallas_call(
        body,
        grid=(_BATCH // 2048,),
        in_specs=[pl.BlockSpec((2048, _FEAT), lambda i: (i, 0))],
        out_specs=pl.BlockSpec((1, _FEAT), lambda i: (0, 0)),
        out_shape=jax.ShapeDtypeStruct((1, _FEAT), jnp.float32),
    )(x)


def _finalize(sums4, stats, ss):
    def body(s_ref, c_ref, ss_ref, o_ref):
        counts8 = c_ref[0, 0:_HROWS, :] + c_ref[1, 0:_HROWS, :]
        counts_t = jnp.transpose(counts8)
        sub_iota = lax.broadcasted_iota(jnp.int32, (_FEAT, 1), 0)
        term = jnp.float32(0.0)
        n_ids = jnp.float32(0.0)
        for r in range(_HROWS):
            block = s_ref[0, r] + s_ref[1, r]
            sq = jnp.sum(block * block, axis=1, keepdims=True)
            n = counts_t[:, r:r + 1]
            nz = (n > 0.0) & (r * _FEAT + sub_iota < _NUM_CLASSES)
            term += jnp.sum(jnp.where(nz, sq / jnp.where(nz, n, 1.0), 0.0))
            n_ids += jnp.sum(jnp.where(nz, 1.0, 0.0))
        total_ss = jnp.sum(ss_ref[...])
        loss = 0.5 * (total_ss - term)
        o_ref[...] = jnp.where(n_ids == float(_BATCH), 0.0, loss).reshape(1, 1)

    return pl.pallas_call(
        body,
        out_shape=jax.ShapeDtypeStruct((1, 1), jnp.float32),
    )(sums4, stats, ss)


def kernel(inputs, targets):
    t2 = targets.reshape(_BATCH // _CHUNK, _CHUNK).astype(jnp.int32)
    zeros_hbm = jnp.asarray(_ZEROS_NP)
    idx8_hbm = jnp.asarray(_IDX8_NP)
    sums, stats = _sc_segment_sums(inputs, t2, zeros_hbm, idx8_hbm)
    ss = _sumsq(inputs)
    out = _finalize(sums.reshape(_NC, _HROWS, _FEAT, _FEAT), stats, ss)
    return out[0, 0]

# --- scband reference (transcript-rebuilt; emitter-appended) ---
"""Pipeline reference for scband-center-loss-76897094467952 (READ-ONLY COPY).

The authoritative reference and input builder live on the scoring server;
editing this copy changes nothing except your own understanding.
"""

import jax, jax.numpy as jnp
import numpy as np


def setup_inputs(seed: int = 0) -> dict:
    key = jax.random.key(seed)
    k1, k2 = jax.random.split(key)
    inputs = jax.random.normal(k1, (16384, 128), dtype=jnp.float32)
    targets = jax.random.randint(k2, (16384,), 0, 1000, dtype=jnp.int64 if jax.config.jax_enable_x64 else jnp.int32).astype(jnp.int32)
    return {"inputs": inputs, "targets": targets}


def reference(inputs, targets):
    batch_size, feat_dim = inputs.shape[0], inputs.shape[1]
    num_classes = 1000
    counts = jax.ops.segment_sum(jnp.ones((batch_size,), dtype=jnp.float32), targets, num_segments=num_classes)
    n_ids = jnp.sum(counts > 0)
    # per-class centers: sum of same-id points / count  (faithful to the loop's mean)
    sums = jax.ops.segment_sum(inputs, targets, num_segments=num_classes)
    centers = sums / counts[:, None]
    # squared L2 distance of each sample to the center of its class
    diff = inputs - jnp.take(centers, targets, axis=0)
    distances = jnp.sum(diff * diff, axis=1)
    loss = 0.5 * jnp.sum(distances)
    return jnp.where(n_ids == batch_size, jnp.zeros_like(loss), loss)

if __name__ == "__main__":
    import jax
    _d = setup_inputs()
    print(jax.jit(kernel)(*tuple(_d.values())))

</pallas_src>

<mosaic_0001>
#map = affine_map<(d0, d1) -> (0, 0)>
#map1 = affine_map<(d0, d1) -> (0)>
#map2 = affine_map<(d0, d1) -> (0, 0, 0)>
module attributes {stable_mosaic.version = 14 : i64} {
  func.func @k(%arg0: i32, %arg1: i32, %arg2: memref<16384x128xf32, #tpu.memory_space<hbm>>, %arg3: memref<128x128xi32, #tpu.memory_space<hbm>>, %arg4: memref<1024x128xf32, #tpu.memory_space<hbm>>, %arg5: memref<8xi32, #tpu.memory_space<hbm>>, %arg6: memref<2x1024x128xf32, #tpu.memory_space<hbm>>, %arg7: memref<2x8x128xf32, #tpu.memory_space<hbm>>, %arg8: memref<1024x128xf32, #tpu.memory_space<vmem_shared>>, %arg9: memref<8x128xf32, #tpu.memory_space<vmem_shared>>, %arg10: memref<4x128xi32, #tpu.memory_space<vmem>>, %arg11: memref<4x128x128xf32, #tpu.memory_space<vmem>>, %arg12: memref<8x128xf32, #tpu.memory_space<vmem>>, %arg13: memref<8xi32, #tpu.memory_space<vmem>>, %arg14: memref<!tpu.dma_semaphore, #tpu.memory_space<semaphore_mem>>, %arg15: memref<!tpu.dma_semaphore, #tpu.memory_space<semaphore_mem>>, %arg16: memref<!tpu.dma_semaphore, #tpu.memory_space<semaphore_mem>>, %arg17: memref<!tpu.dma_semaphore, #tpu.memory_space<semaphore_mem>>, %arg18: memref<!tpu.dma_semaphore, #tpu.memory_space<semaphore_mem>>, %arg19: memref<!tpu.dma_semaphore, #tpu.memory_space<semaphore_mem>>) attributes {dimension_semantics = [#tpu.dimension_semantics<core_parallel>, #tpu.dimension_semantics<subcore_parallel>], iteration_bounds = array<i64: 2, 16>, scalar_prefetch = 0 : i64, scratch_operands = 12 : i64, tpu.core_type = #tpu.core_type<sc_vector_subcore>, window_params = [{transform_indices = #map}, {transform_indices = #map}, {transform_indices = #map}, {transform_indices = #map1}, {transform_indices = #map2}, {transform_indices = #map2}]} {
    %mul3A = arith.constant 64 : i32
    %mul3A_0 = arith.muli %arg1, %mul3A : i32
    %mul3A_1 = arith.constant 64 : i32
    %mul3A_2 = arith.muli %arg0, %mul3A_1 : i32
    %mul3A_3 = arith.constant 4 : i32
    %mul3A_4 = arith.muli %arg1, %mul3A_3 : i32
    %add3A = arith.addi %mul3A_2, %mul3A_4 : i32
    %mul3A_5 = arith.constant 8192 : i32
    %mul3A_6 = arith.muli %arg0, %mul3A_5 : i32
    %mul3A_7 = arith.constant 512 : i32
    %mul3A_8 = arith.muli %arg1, %mul3A_7 : i32
    %add3A_9 = arith.addi %mul3A_6, %mul3A_8 : i32
    %add3A_10 = arith.constant 0 : i32
    %add3A_11 = arith.addi %add3A_9, %add3A_10 : i32
    %dma_start3A = arith.constant 0 : i32
    %dma_start3A_12 = arith.constant 0 : i32
    %dma_start3A_13 = arith.constant 0 : i32
    %dma_start3A_14 = tpu.memref_slice %arg11[%dma_start3A, %dma_start3A_12, %dma_start3A_13] : memref<4x128x128xf32, #tpu.memory_space<vmem>> -> memref<1x128x128xf32, #tpu.memory_space<vmem>>
    %dma_start3A_15 = tpu.memref_squeeze %dma_start3A_14 : memref<1x128x128xf32, #tpu.memory_space<vmem>> -> memref<128x128xf32, #tpu.memory_space<vmem>>
    %dma_start3A_16 = arith.constant 0 : i32
    %dma_start3A_17 = tpu.memref_slice %arg2[%add3A_11, %dma_start3A_16] : memref<16384x128xf32, #tpu.memory_space<hbm>> -> memref<128x128xf32, #tpu.memory_space<hbm>>
    %dma_start3A_18 = arith.constant 0 : i32
    %dma_start3A_19 = arith.constant 0 : i32
    %dma_start3A_20 = tpu.memref_slice %arg11[%dma_start3A, %dma_start3A_18, %dma_start3A_19] : memref<4x128x128xf32, #tpu.memory_space<vmem>> -> memref<1x128x128xf32, #tpu.memory_space<vmem>>
    %dma_start3A_21 = tpu.memref_squeeze %dma_start3A_20 : memref<1x128x128xf32, #tpu.memory_space<vmem>> -> memref<128x128xf32, #tpu.memory_space<vmem>>
    %dma_start3A_22 = arith.constant 0 : i32
    %dma_start3A_23 = tpu.memref_slice %arg2[%add3A_11, %dma_start3A_22] : memref<16384x128xf32, #tpu.memory_space<hbm>> -> memref<128x128xf32, #tpu.memory_space<hbm>>
    tpu.enqueue_dma source(%dma_start3A_23 : memref<128x128xf32, #tpu.memory_space<hbm>>) target(%dma_start3A_21 : memref<128x128xf32, #tpu.memory_space<vmem>>) target_semaphore(%arg14 : memref<!tpu.dma_semaphore, #tpu.memory_space<semaphore_mem>>)
    %add3A_24 = arith.constant 128 : i32
    %add3A_25 = arith.addi %add3A_9, %add3A_24 : i32
    %dma_start3A_26 = arith.constant 1 : i32
    %dma_start3A_27 = arith.constant 0 : i32
    %dma_start3A_28 = arith.constant 0 : i32
    %dma_start3A_29 = tpu.memref_slice %arg11[%dma_start3A_26, %dma_start3A_27, %dma_start3A_28] : memref<4x128x128xf32, #tpu.memory_space<vmem>> -> memref<1x128x128xf32, #tpu.memory_space<vmem>>
    %dma_start3A_30 = tpu.memref_squeeze %dma_start3A_29 : memref<1x128x128xf32, #tpu.memory_space<vmem>> -> memref<128x128xf32, #tpu.memory_space<vmem>>
    %dma_start3A_31 = arith.constant 0 : i32
    %dma_start3A_32 = tpu.memref_slice %arg2[%add3A_25, %dma_start3A_31] : memref<16384x128xf32, #tpu.memory_space<hbm>> -> memref<128x128xf32, #tpu.memory_space<hbm>>
    %dma_start3A_33 = arith.constant 0 : i32
    %dma_start3A_34 = arith.constant 0 : i32
    %dma_start3A_35 = tpu.memref_slice %arg11[%dma_start3A_26, %dma_start3A_33, %dma_start3A_34] : memref<4x128x128xf32, #tpu.memory_space<vmem>> -> memref<1x128x128xf32, #tpu.memory_space<vmem>>
    %dma_start3A_36 = tpu.memref_squeeze %dma_start3A_35 : memref<1x128x128xf32, #tpu.memory_space<vmem>> -> memref<128x128xf32, #tpu.memory_space<vmem>>
    %dma_start3A_37 = arith.constant 0 : i32
    %dma_start3A_38 = tpu.memref_slice %arg2[%add3A_25, %dma_start3A_37] : memref<16384x128xf32, #tpu.memory_space<hbm>> -> memref<128x128xf32, #tpu.memory_space<hbm>>
    tpu.enqueue_dma source(%dma_start3A_38 : memref<128x128xf32, #tpu.memory_space<hbm>>) target(%dma_start3A_36 : memref<128x128xf32, #tpu.memory_space<vmem>>) target_semaphore(%arg15 : memref<!tpu.dma_semaphore, #tpu.memory_space<semaphore_mem>>)
    %add3A_39 = arith.constant 256 : i32
    %add3A_40 = arith.addi %add3A_9, %add3A_39 : i32
    %dma_start3A_41 = arith.constant 2 : i32
    %dma_start3A_42 = arith.constant 0 : i32
    %dma_start3A_43 = arith.constant 0 : i32
    %dma_start3A_44 = tpu.memref_slice %arg11[%dma_start3A_41, %dma_start3A_42, %dma_start3A_43] : memref<4x128x128xf32, #tpu.memory_space<vmem>> -> memref<1x128x128xf32, #tpu.memory_space<vmem>>
    %dma_start3A_45 = tpu.memref_squeeze %dma_start3A_44 : memref<1x128x128xf32, #tpu.memory_space<vmem>> -> memref<128x128xf32, #tpu.memory_space<vmem>>
    %dma_start3A_46 = arith.constant 0 : i32
    %dma_start3A_47 = tpu.memref_slice %arg2[%add3A_40, %dma_start3A_46] : memref<16384x128xf32, #tpu.memory_space<hbm>> -> memref<128x128xf32, #tpu.memory_space<hbm>>
    %dma_start3A_48 = arith.constant 0 : i32
    %dma_start3A_49 = arith.constant 0 : i32
    %dma_start3A_50 = tpu.memref_slice %arg11[%dma_start3A_41, %dma_start3A_48, %dma_start3A_49] : memref<4x128x128xf32, #tpu.memory_space<vmem>> -> memref<1x128x128xf32, #tpu.memory_space<vmem>>
    %dma_start3A_51 = tpu.memref_squeeze %dma_start3A_50 : memref<1x128x128xf32, #tpu.memory_space<vmem>> -> memref<128x128xf32, #tpu.memory_space<vmem>>
    %dma_start3A_52 = arith.constant 0 : i32
    %dma_start3A_53 = tpu.memref_slice %arg2[%add3A_40, %dma_start3A_52] : memref<16384x128xf32, #tpu.memory_space<hbm>> -> memref<128x128xf32, #tpu.memory_space<hbm>>
    tpu.enqueue_dma source(%dma_start3A_53 : memref<128x128xf32, #tpu.memory_space<hbm>>) target(%dma_start3A_51 : memref<128x128xf32, #tpu.memory_space<vmem>>) target_semaphore(%arg16 : memref<!tpu.dma_semaphore, #tpu.memory_space<semaphore_mem>>)
    %add3A_54 = arith.constant 384 : i32
    %add3A_55 = arith.addi %add3A_9, %add3A_54 : i32
    %dma_start3A_56 = arith.constant 3 : i32
    %dma_start3A_57 = arith.constant 0 : i32
    %dma_start3A_58 = arith.constant 0 : i32
    %dma_start3A_59 = tpu.memref_slice %arg11[%dma_start3A_56, %dma_start3A_57, %dma_start3A_58] : memref<4x128x128xf32, #tpu.memory_space<vmem>> -> memref<1x128x128xf32, #tpu.memory_space<vmem>>
    %dma_start3A_60 = tpu.memref_squeeze %dma_start3A_59 : memref<1x128x128xf32, #tpu.memory_space<vmem>> -> memref<128x128xf32, #tpu.memory_space<vmem>>
    %dma_start3A_61 = arith.constant 0 : i32
    %dma_start3A_62 = tpu.memref_slice %arg2[%add3A_55, %dma_start3A_61] : memref<16384x128xf32, #tpu.memory_space<hbm>> -> memref<128x128xf32, #tpu.memory_space<hbm>>
    %dma_start3A_63 = arith.constant 0 : i32
    %dma_start3A_64 = arith.constant 0 : i32
    %dma_start3A_65 = tpu.memref_slice %arg11[%dma_start3A_56, %dma_start3A_63, %dma_start3A_64] : memref<4x128x128xf32, #tpu.memory_space<vmem>> -> memref<1x128x128xf32, #tpu.memory_space<vmem>>
    %dma_start3A_66 = tpu.memref_squeeze %dma_start3A_65 : memref<1x128x128xf32, #tpu.memory_space<vmem>> -> memref<128x128xf32, #tpu.memory_space<vmem>>
    %dma_start3A_67 = arith.constant 0 : i32
    %dma_start3A_68 = tpu.memref_slice %arg2[%add3A_55, %dma_start3A_67] : memref<16384x128xf32, #tpu.memory_space<hbm>> -> memref<128x128xf32, #tpu.memory_space<hbm>>
    tpu.enqueue_dma source(%dma_start3A_68 : memref<128x128xf32, #tpu.memory_space<hbm>>) target(%dma_start3A_66 : memref<128x128xf32, #tpu.memory_space<vmem>>) target_semaphore(%arg17 : memref<!tpu.dma_semaphore, #tpu.memory_space<semaphore_mem>>)
    %dma_start3A_69 = arith.constant 0 : i32
    %dma_start3A_70 = tpu.memref_slice %arg3[%add3A, %dma_start3A_69] : memref<128x128xi32, #tpu.memory_space<hbm>> -> memref<4x128xi32, #tpu.memory_space<hbm>>
    %dma_start3A_71 = arith.constant 0 : i32
    %dma_start3A_72 = tpu.memref_slice %arg3[%add3A, %dma_start3A_71] : memref<128x128xi32, #tpu.memory_space<hbm>> -> memref<4x128xi32, #tpu.memory_space<hbm>>
    tpu.enqueue_dma source(%dma_start3A_72 : memref<4x128xi32, #tpu.memory_space<hbm>>) target(%arg10 : memref<4x128xi32, #tpu.memory_space<vmem>>) target_semaphore(%arg19 : memref<!tpu.dma_semaphore, #tpu.memory_space<semaphore_mem>>)
    tpu.enqueue_dma source(%arg5 : memref<8xi32, #tpu.memory_space<hbm>>) target(%arg13 : memref<8xi32, #tpu.memory_space<vmem>>) target_semaphore(%arg19 : memref<!tpu.dma_semaphore, #tpu.memory_space<semaphore_mem>>)
    %iota3A = tpu.iota {dimensions = array<i32: 0>} : vector<16xi32>
    %mul3A_73 = arith.constant 0 : i32
    %mul3A_74 = vector.broadcast %mul3A_73 : i32 to vector<16xi32>
    %mul3A_75 = arith.muli %iota3A, %mul3A_74 : vector<16xi32>
    %convert_element_type3A = arith.sitofp %mul3A_75 : vector<16xi32> to vector<16xf32>
    %add3A_76 = arith.constant 1.000000e+00 : f32
    %add3A_77 = vector.broadcast %add3A_76 : f32 to vector<16xf32>
    %add3A_78 = arith.addf %convert_element_type3A, %add3A_77 : vector<16xf32>
    %swap3A = arith.constant 0 : i32
    %swap3A_79 = arith.index_cast %swap3A : i32 to index
    %swap3A_80 = arith.constant 0 : index
    %swap3A_81 = tpu.vector_load %arg12[%swap3A_79, %swap3A_80] {strides = array<i32>} : memref<8x128xf32, #tpu.memory_space<vmem>>, vector<16xf32>,
    tpu.vector_store %arg12[%swap3A_79, %swap3A_80], %convert_element_type3A {strides = array<i32>} : memref<8x128xf32, #tpu.memory_space<vmem>>, vector<16xf32>,
    %swap3A_82 = arith.constant 0 : i32
    %swap3A_83 = arith.index_cast %swap3A_82 : i32 to index
    %swap3A_84 = arith.constant 16 : index
    %swap3A_85 = tpu.vector_load %arg12[%swap3A_83, %swap3A_84] {strides = array<i32>} : memref<8x128xf32, #tpu.memory_space<vmem>>, vector<16xf32>,
    tpu.vector_store %arg12[%swap3A_83, %swap3A_84], %convert_element_type3A {strides = array<i32>} : memref<8x128xf32, #tpu.memory_space<vmem>>, vector<16xf32>,
    %swap3A_86 = arith.constant 0 : i32
    %swap3A_87 = arith.index_cast %swap3A_86 : i32 to index
    %swap3A_88 = arith.constant 32 : index
    %swap3A_89 = tpu.vector_load %arg12[%swap3A_87, %swap3A_88] {strides = array<i32>} : memref<8x128xf32, #tpu.memory_space<vmem>>, vector<16xf32>,
    tpu.vector_store %arg12[%swap3A_87, %swap3A_88], %convert_element_type3A {strides = array<i32>} : memref<8x128xf32, #tpu.memory_space<vmem>>, vector<16xf32>,
    %swap3A_90 = arith.constant 0 : i32
    %swap3A_91 = arith.index_cast %swap3A_90 : i32 to index
    %swap3A_92 = arith.constant 48 : index
    %swap3A_93 = tpu.vector_load %arg12[%swap3A_91, %swap3A_92] {strides = array<i32>} : memref<8x128xf32, #tpu.memory_space<vmem>>, vector<16xf32>,
    tpu.vector_store %arg12[%swap3A_91, %swap3A_92], %convert_element_type3A {strides = array<i32>} : memref<8x128xf32, #tpu.memory_space<vmem>>, vector<16xf32>,
    %swap3A_94 = arith.constant 0 : i32
    %swap3A_95 = arith.index_cast %swap3A_94 : i32 to index
    %swap3A_96 = arith.constant 64 : index
    %swap3A_97 = tpu.vector_load %arg12[%swap3A_95, %swap3A_96] {strides = array<i32>} : memref<8x128xf32, #tpu.memory_space<vmem>>, vector<16xf32>,
    tpu.vector_store %arg12[%swap3A_95, %swap3A_96], %convert_element_type3A {strides = array<i32>} : memref<8x128xf32, #tpu.memory_space<vmem>>, vector<16xf32>,
    %swap3A_98 = arith.constant 0 : i32
    %swap3A_99 = arith.index_cast %swap3A_98 : i32 to index
    %swap3A_100 = arith.constant 80 : index
    %swap3A_101 = tpu.vector_load %arg12[%swap3A_99, %swap3A_100] {strides = array<i32>} : memref<8x128xf32, #tpu.memory_space<vmem>>, vector<16xf32>,
    tpu.vector_store %arg12[%swap3A_99, %swap3A_100], %convert_element_type3A {strides = array<i32>} : memref<8x128xf32, #tpu.memory_space<vmem>>, vector<16xf32>,
    %swap3A_102 = arith.constant 0 : i32
    %swap3A_103 = arith.index_cast %swap3A_102 : i32 to index
    %swap3A_104 = arith.constant 96 : index
    %swap3A_105 = tpu.vector_load %arg12[%swap3A_103, %swap3A_104] {strides = array<i32>} : memref<8x128xf32, #tpu.memory_space<vmem>>, vector<16xf32>,
    tpu.vector_store %arg12[%swap3A_103, %swap3A_104], %convert_element_type3A {strides = array<i32>} : memref<8x128xf32, #tpu.memory_space<vmem>>, vector<16xf32>,
    %swap3A_106 = arith.constant 0 : i32
    %swap3A_107 = arith.index_cast %swap3A_106 : i32 to index
    %swap3A_108 = arith.constant 112 : index
    %swap3A_109 = tpu.vector_load %arg12[%swap3A_107, %swap3A_108] {strides = array<i32>} : memref<8x128xf32, #tpu.memory_space<vmem>>, vector<16xf32>,
    tpu.vector_store %arg12[%swap3A_107, %swap3A_108], %convert_element_type3A {strides = array<i32>} : memref<8x128xf32, #tpu.memory_space<vmem>>, vector<16xf32>,
    %swap3A_110 = arith.constant 1 : i32
    %swap3A_111 = arith.index_cast %swap3A_110 : i32 to index
    %swap3A_112 = arith.constant 0 : index
    %swap3A_113 = tpu.vector_load %arg12[%swap3A_111, %swap3A_112] {strides = array<i32>} : memref<8x128xf32, #tpu.memory_space<vmem>>, vector<16xf32>,
    tpu.vector_store %arg12[%swap3A_111, %swap3A_112], %convert_element_type3A {strides = array<i32>} : memref<8x128xf32, #tpu.memory_space<vmem>>, vector<16xf32>,
    %swap3A_114 = arith.constant 1 : i32
    %swap3A_115 = arith.index_cast %swap3A_114 : i32 to index
    %swap3A_116 = arith.constant 16 : index
    %swap3A_117 = tpu.vector_load %arg12[%swap3A_115, %swap3A_116] {strides = array<i32>} : memref<8x128xf32, #tpu.memory_space<vmem>>, vector<16xf32>,
    tpu.vector_store %arg12[%swap3A_115, %swap3A_116], %convert_element_type3A {strides = array<i32>} : memref<8x128xf32, #tpu.memory_space<vmem>>, vector<16xf32>,
    %swap3A_118 = arith.constant 1 : i32
    %swap3A_119 = arith.index_cast %swap3A_118 : i32 to index
    %swap3A_120 = arith.constant 32 : index
    %swap3A_121 = tpu.vector_load %arg12[%swap3A_119, %swap3A_120] {strides = array<i32>} : memref<8x128xf32, #tpu.memory_space<vmem>>, vector<16xf32>,
    tpu.vector_store %arg12[%swap3A_119, %swap3A_120], %convert_element_type3A {strides = array<i32>} : memref<8x128xf32, #tpu.memory_space<vmem>>, vector<16xf32>,
    %swap3A_122 = arith.constant 1 : i32
    %swap3A_123 = arith.index_cast %swap3A_122 : i32 to index
    %swap3A_124 = arith.constant 48 : index
    %swap3A_125 = tpu.vector_load %arg12[%swap3A_123, %swap3A_124] {strides = array<i32>} : memref<8x128xf32, #tpu.memory_space<vmem>>, vector<16xf32>,
    tpu.vector_store %arg12[%swap3A_123, %swap3A_124], %convert_element_type3A {strides = array<i32>} : memref<8x128xf32, #tpu.memory_space<vmem>>, vector<16xf32>,
    %swap3A_126 = arith.constant 1 : i32
    %swap3A_127 = arith.index_cast %swap3A_126 : i32 to index
    %swap3A_128 = arith.constant 64 : index
    %swap3A_129 = tpu.vector_load %arg12[%swap3A_127, %swap3A_128] {strides = array<i32>} : memref<8x128xf32, #tpu.memory_space<vmem>>, vector<16xf32>,
    tpu.vector_store %arg12[%swap3A_127, %swap3A_128], %convert_element_type3A {strides = array<i32>} : memref<8x128xf32, #tpu.memory_space<vmem>>, vector<16xf32>,
    %swap3A_130 = arith.constant 1 : i32
    %swap3A_131 = arith.index_cast %swap3A_130 : i32 to index
    %swap3A_132 = arith.constant 80 : index
    %swap3A_133 = tpu.vector_load %arg12[%swap3A_131, %swap3A_132] {strides = array<i32>} : memref<8x128xf32, #tpu.memory_space<vmem>>, vector<16xf32>,
    tpu.vector_store %arg12[%swap3A_131, %swap3A_132], %convert_element_type3A {strides = array<i32>} : memref<8x128xf32, #tpu.memory_space<vmem>>, vector<16xf32>,
    %swap3A_134 = arith.constant 1 : i32
    %swap3A_135 = arith.index_cast %swap3A_134 : i32 to index
    %swap3A_136 = arith.constant 96 : index
    %swap3A_137 = tpu.vector_load %arg12[%swap3A_135, %swap3A_136] {strides = array<i32>} : memref<8x128xf32, #tpu.memory_space<vmem>>, vector<16xf32>,
    tpu.vector_store %arg12[%swap3A_135, %swap3A_136], %convert_element_type3A {strides = array<i32>} : memref<8x128xf32, #tpu.memory_space<vmem>>, vector<16xf32>,
    %swap3A_138 = arith.constant 1 : i32
    %swap3A_139 = arith.index_cast %swap3A_138 : i32 to index
    %swap3A_140 = arith.constant 112 : index
    %swap3A_141 = tpu.vector_load %arg12[%swap3A_139, %swap3A_140] {strides = array<i32>} : memref<8x128xf32, #tpu.memory_space<vmem>>, vector<16xf32>,
    tpu.vector_store %arg12[%swap3A_139, %swap3A_140], %convert_element_type3A {strides = array<i32>} : memref<8x128xf32, #tpu.memory_space<vmem>>, vector<16xf32>,
    %swap3A_142 = arith.constant 2 : i32
    %swap3A_143 = arith.index_cast %swap3A_142 : i32 to index
    %swap3A_144 = arith.constant 0 : index
    %swap3A_145 = tpu.vector_load %arg12[%swap3A_143, %swap3A_144] {strides = array<i32>} : memref<8x128xf32, #tpu.memory_space<vmem>>, vector<16xf32>,
    tpu.vector_store %arg12[%swap3A_143, %swap3A_144], %convert_element_type3A {strides = array<i32>} : memref<8x128xf32, #tpu.memory_space<vmem>>, vector<16xf32>,
    %swap3A_146 = arith.constant 2 : i32
    %swap3A_147 = arith.index_cast %swap3A_146 : i32 to index
    %swap3A_148 = arith.constant 16 : index
    %swap3A_149 = tpu.vector_load %arg12[%swap3A_147, %swap3A_148] {strides = array<i32>} : memref<8x128xf32, #tpu.memory_space<vmem>>, vector<16xf32>,
    tpu.vector_store %arg12[%swap3A_147, %swap3A_148], %convert_element_type3A {strides = array<i32>} : memref<8x128xf32, #tpu.memory_space<vmem>>, vector<16xf32>,
    %swap3A_150 = arith.constant 2 : i32
    %swap3A_151 = arith.index_cast %swap3A_150 : i32 to index
    %swap3A_152 = arith.constant 32 : index
    %swap3A_153 = tpu.vector_load %arg12[%swap3A_151, %swap3A_152] {strides = array<i32>} : memref<8x128xf32, #tpu.memory_space<vmem>>, vector<16xf32>,
    tpu.vector_store %arg12[%swap3A_151, %swap3A_152], %convert_element_type3A {strides = array<i32>} : memref<8x128xf32, #tpu.memory_space<vmem>>, vector<16xf32>,
    %swap3A_154 = arith.constant 2 : i32
    %swap3A_155 = arith.index_cast %swap3A_154 : i32 to index
    %swap3A_156 = arith.constant 48 : index
    %swap3A_157 = tpu.vector_load %arg12[%swap3A_155, %swap3A_156] {strides = array<i32>} : memref<8x128xf32, #tpu.memory_space<vmem>>, vector<16xf32>,
    tpu.vector_store %arg12[%swap3A_155, %swap3A_156], %convert_element_type3A {strides = array<i32>} : memref<8x128xf32, #tpu.memory_space<vmem>>, vector<16xf32>,
    %swap3A_158 = arith.constant 2 : i32
    %swap3A_159 = arith.index_cast %swap3A_158 : i32 to index
    %swap3A_160 = arith.constant 64 : index
    %swap3A_161 = tpu.vector_load %arg12[%swap3A_159, %swap3A_160] {strides = array<i32>} : memref<8x128xf32, #tpu.memory_space<vmem>>, vector<16xf32>,
    tpu.vector_store %arg12[%swap3A_159, %swap3A_160], %convert_element_type3A {strides = array<i32>} : memref<8x128xf32, #tpu.memory_space<vmem>>, vector<16xf32>,
    %swap3A_162 = arith.constant 2 : i32
    %swap3A_163 = arith.index_cast %swap3A_162 : i32 to index
    %swap3A_164 = arith.constant 80 : index
    %swap3A_165 = tpu.vector_load %arg12[%swap3A_163, %swap3A_164] {strides = array<i32>} : memref<8x128xf32, #tpu.memory_space<vmem>>, vector<16xf32>,
    tpu.vector_store %arg12[%swap3A_163, %swap3A_164], %convert_element_type3A {strides = array<i32>} : memref<8x128xf32, #tpu.memory_space<vmem>>, vector<16xf32>,
    %swap3A_166 = arith.constant 2 : i32
    %swap3A_167 = arith.index_cast %swap3A_166 : i32 to index
    %swap3A_168 = arith.constant 96 : index
    %swap3A_169 = tpu.vector_load %arg12[%swap3A_167, %swap3A_168] {strides = array<i32>} : memref<8x128xf32, #tpu.memory_space<vmem>>, vector<16xf32>,
    tpu.vector_store %arg12[%swap3A_167, %swap3A_168], %convert_element_type3A {strides = array<i32>} : memref<8x128xf32, #tpu.memory_space<vmem>>, vector<16xf32>,
    %swap3A_170 = arith.constant 2 : i32
    %swap3A_171 = arith.index_cast %swap3A_170 : i32 to index
    %swap3A_172 = arith.constant 112 : index
    %swap3A_173 = tpu.vector_load %arg12[%swap3A_171, %swap3A_172] {strides = array<i32>} : memref<8x128xf32, #tpu.memory_space<vmem>>, vector<16xf32>,
    tpu.vector_store %arg12[%swap3A_171, %swap3A_172], %convert_element_type3A {strides = array<i32>} : memref<8x128xf32, #tpu.memory_space<vmem>>, vector<16xf32>,
    %swap3A_174 = arith.constant 3 : i32
    %swap3A_175 = arith.index_cast %swap3A_174 : i32 to index
    %swap3A_176 = arith.constant 0 : index
    %swap3A_177 = tpu.vector_load %arg12[%swap3A_175, %swap3A_176] {strides = array<i32>} : memref<8x128xf32, #tpu.memory_space<vmem>>, vector<16xf32>,
    tpu.vector_store %arg12[%swap3A_175, %swap3A_176], %convert_element_type3A {strides = array<i32>} : memref<8x128xf32, #tpu.memory_space<vmem>>, vector<16xf32>,
    %swap3A_178 = arith.constant 3 : i32
    %swap3A_179 = arith.index_cast %swap3A_178 : i32 to index
    %swap3A_180 = arith.constant 16 : index
    %swap3A_181 = tpu.vector_load %arg12[%swap3A_179, %swap3A_180] {strides = array<i32>} : memref<8x128xf32, #tpu.memory_space<vmem>>, vector<16xf32>,
    tpu.vector_store %arg12[%swap3A_179, %swap3A_180], %convert_element_type3A {strides = array<i32>} : memref<8x128xf32, #tpu.memory_space<vmem>>, vector<16xf32>,
    %swap3A_182 = arith.constant 3 : i32
    %swap3A_183 = arith.index_cast %swap3A_182 : i32 to index
    %swap3A_184 = arith.constant 32 : index
    %swap3A_185 = tpu.vector_load %arg12[%swap3A_183, %swap3A_184] {strides = array<i32>} : memref<8x128xf32, #tpu.memory_space<vmem>>, vector<16xf32>,
    tpu.vector_store %arg12[%swap3A_183, %swap3A_184], %convert_element_type3A {strides = array<i32>} : memref<8x128xf32, #tpu.memory_space<vmem>>, vector<16xf32>,
    %swap3A_186 = arith.constant 3 : i32
    %swap3A_187 = arith.index_cast %swap3A_186 : i32 to index
    %swap3A_188 = arith.constant 48 : index
    %swap3A_189 = tpu.vector_load %arg12[%swap3A_187, %swap3A_188] {strides = array<i32>} : memref<8x128xf32, #tpu.memory_space<vmem>>, vector<16xf32>,
    tpu.vector_store %arg12[%swap3A_187, %swap3A_188], %convert_element_type3A {strides = array<i32>} : memref<8x128xf32, #tpu.memory_space<vmem>>, vector<16xf32>,
    %swap3A_190 = arith.constant 3 : i32
    %swap3A_191 = arith.index_cast %swap3A_190 : i32 to index
    %swap3A_192 = arith.constant 64 : index
    %swap3A_193 = tpu.vector_load %arg12[%swap3A_191, %swap3A_192] {strides = array<i32>} : memref<8x128xf32, #tpu.memory_space<vmem>>, vector<16xf32>,
    tpu.vector_store %arg12[%swap3A_191, %swap3A_192], %convert_element_type3A {strides = array<i32>} : memref<8x128xf32, #tpu.memory_space<vmem>>, vector<16xf32>,
    %swap3A_194 = arith.constant 3 : i32
    %swap3A_195 = arith.index_cast %swap3A_194 : i32 to index
    %swap3A_196 = arith.constant 80 : index
    %swap3A_197 = tpu.vector_load %arg12[%swap3A_195, %swap3A_196] {strides = array<i32>} : memref<8x128xf32, #tpu.memory_space<vmem>>, vector<16xf32>,
    tpu.vector_store %arg12[%swap3A_195, %swap3A_196], %convert_element_type3A {strides = array<i32>} : memref<8x128xf32, #tpu.memory_space<vmem>>, vector<16xf32>,
    %swap3A_198 = arith.constant 3 : i32
    %swap3A_199 = arith.index_cast %swap3A_198 : i32 to index
    %swap3A_200 = arith.constant 96 : index
    %swap3A_201 = tpu.vector_load %arg12[%swap3A_199, %swap3A_200] {strides = array<i32>} : memref<8x128xf32, #tpu.memory_space<vmem>>, vector<16xf32>,
    tpu.vector_store %arg12[%swap3A_199, %swap3A_200], %convert_element_type3A {strides = array<i32>} : memref<8x128xf32, #tpu.memory_space<vmem>>, vector<16xf32>,
    %swap3A_202 = arith.constant 3 : i32
    %swap3A_203 = arith.index_cast %swap3A_202 : i32 to index
    %swap3A_204 = arith.constant 112 : index
    %swap3A_205 = tpu.vector_load %arg12[%swap3A_203, %swap3A_204] {strides = array<i32>} : memref<8x128xf32, #tpu.memory_space<vmem>>, vector<16xf32>,
    tpu.vector_store %arg12[%swap3A_203, %swap3A_204], %convert_element_type3A {strides = array<i32>} : memref<8x128xf32, #tpu.memory_space<vmem>>, vector<16xf32>,
    %swap3A_206 = arith.constant 4 : i32
    %swap3A_207 = arith.index_cast %swap3A_206 : i32 to index
    %swap3A_208 = arith.constant 0 : index
    %swap3A_209 = tpu.vector_load %arg12[%swap3A_207, %swap3A_208] {strides = array<i32>} : memref<8x128xf32, #tpu.memory_space<vmem>>, vector<16xf32>,
    tpu.vector_store %arg12[%swap3A_207, %swap3A_208], %convert_element_type3A {strides = array<i32>} : memref<8x128xf32, #tpu.memory_space<vmem>>, vector<16xf32>,
    %swap3A_210 = arith.constant 4 : i32
    %swap3A_211 = arith.index_cast %swap3A_210 : i32 to index
    %swap3A_212 = arith.constant 16 : index
    %swap3A_213 = tpu.vector_load %arg12[%swap3A_211, %swap3A_212] {strides = array<i32>} : memref<8x128xf32, #tpu.memory_space<vmem>>, vector<16xf32>,
    tpu.vector_store %arg12[%swap3A_211, %swap3A_212], %convert_element_type3A {strides = array<i32>} : memref<8x128xf32, #tpu.memory_space<vmem>>, vector<16xf32>,
    %swap3A_214 = arith.constant 4 : i32
    %swap3A_215 = arith.index_cast %swap3A_214 : i32 to index
    %swap3A_216 = arith.constant 32 : index
    %swap3A_217 = tpu.vector_load %arg12[%swap3A_215, %swap3A_216] {strides = array<i32>} : memref<8x128xf32, #tpu.memory_space<vmem>>, vector<16xf32>,
    tpu.vector_store %arg12[%swap3A_215, %swap3A_216], %convert_element_type3A {strides = array<i32>} : memref<8x128xf32, #tpu.memory_space<vmem>>, vector<16xf32>,
    %swap3A_218 = arith.constant 4 : i32
    %swap3A_219 = arith.index_cast %swap3A_218 : i32 to index
    %swap3A_220 = arith.constant 48 : index
    %swap3A_221 = tpu.vector_load %arg12[%swap3A_219, %swap3A_220] {strides = array<i32>} : memref<8x128xf32, #tpu.memory_space<vmem>>, vector<16xf32>,
    tpu.vector_store %arg12[%swap3A_219, %swap3A_220], %convert_element_type3A {strides = array<i32>} : memref<8x128xf32, #tpu.memory_space<vmem>>, vector<16xf32>,
    %swap3A_222 = arith.constant 4 : i32
    %swap3A_223 = arith.index_cast %swap3A_222 : i32 to index
    %swap3A_224 = arith.constant 64 : index
    %swap3A_225 = tpu.vector_load %arg12[%swap3A_223, %swap3A_224] {strides = array<i32>} : memref<8x128xf32, #tpu.memory_space<vmem>>, vector<16xf32>,
    tpu.vector_store %arg12[%swap3A_223, %swap3A_224], %convert_element_type3A {strides = array<i32>} : memref<8x128xf32, #tpu.memory_space<vmem>>, vector<16xf32>,
    %swap3A_226 = arith.constant 4 : i32
    %swap3A_227 = arith.index_cast %swap3A_226 : i32 to index
    %swap3A_228 = arith.constant 80 : index
    %swap3A_229 = tpu.vector_load %arg12[%swap3A_227, %swap3A_228] {strides = array<i32>} : memref<8x128xf32, #tpu.memory_space<vmem>>, vector<16xf32>,
    tpu.vector_store %arg12[%swap3A_227, %swap3A_228], %convert_element_type3A {strides = array<i32>} : memref<8x128xf32, #tpu.memory_space<vmem>>, vector<16xf32>,
    %swap3A_230 = arith.constant 4 : i32
    %swap3A_231 = arith.index_cast %swap3A_230 : i32 to index
    %swap3A_232 = arith.constant 96 : index
    %swap3A_233 = tpu.vector_load %arg12[%swap3A_231, %swap3A_232] {strides = array<i32>} : memref<8x128xf32, #tpu.memory_space<vmem>>, vector<16xf32>,
    tpu.vector_store %arg12[%swap3A_231, %swap3A_232], %convert_element_type3A {strides = array<i32>} : memref<8x128xf32, #tpu.memory_space<vmem>>, vector<16xf32>,
    %swap3A_234 = arith.constant 4 : i32
    %swap3A_235 = arith.index_cast %swap3A_234 : i32 to index
    %swap3A_236 = arith.constant 112 : index
    %swap3A_237 = tpu.vector_load %arg12[%swap3A_235, %swap3A_236] {strides = array<i32>} : memref<8x128xf32, #tpu.memory_space<vmem>>, vector<16xf32>,
    tpu.vector_store %arg12[%swap3A_235, %swap3A_236], %convert_element_type3A {strides = array<i32>} : memref<8x128xf32, #tpu.memory_space<vmem>>, vector<16xf32>,
    %swap3A_238 = arith.constant 5 : i32
    %swap3A_239 = arith.index_cast %swap3A_238 : i32 to index
    %swap3A_240 = arith.constant 0 : index
    %swap3A_241 = tpu.vector_load %arg12[%swap3A_239, %swap3A_240] {strides = array<i32>} : memref<8x128xf32, #tpu.memory_space<vmem>>, vector<16xf32>,
    tpu.vector_store %arg12[%swap3A_239, %swap3A_240], %convert_element_type3A {strides = array<i32>} : memref<8x128xf32, #tpu.memory_space<vmem>>, vector<16xf32>,
    %swap3A_242 = arith.constant 5 : i32
    %swap3A_243 = arith.index_cast %swap3A_242 : i32 to index
    %swap3A_244 = arith.constant 16 : index
    %swap3A_245 = tpu.vector_load %arg12[%swap3A_243, %swap3A_244] {strides = array<i32>} : memref<8x128xf32, #tpu.memory_space<vmem>>, vector<16xf32>,
    tpu.vector_store %arg12[%swap3A_243, %swap3A_244], %convert_element_type3A {strides = array<i32>} : memref<8x128xf32, #tpu.memory_space<vmem>>, vector<16xf32>,
    %swap3A_246 = arith.constant 5 : i32
    %swap3A_247 = arith.index_cast %swap3A_246 : i32 to index
    %swap3A_248 = arith.constant 32 : index
    %swap3A_249 = tpu.vector_load %arg12[%swap3A_247, %swap3A_248] {strides = array<i32>} : memref<8x128xf32, #tpu.memory_space<vmem>>, vector<16xf32>,
    tpu.vector_store %arg12[%swap3A_247, %swap3A_248], %convert_element_type3A {strides = array<i32>} : memref<8x128xf32, #tpu.memory_space<vmem>>, vector<16xf32>,
    %swap3A_250 = arith.constant 5 : i32
    %swap3A_251 = arith.index_cast %swap3A_250 : i32 to index
    %swap3A_252 = arith.constant 48 : index
    %swap3A_253 = tpu.vector_load %arg12[%swap3A_251, %swap3A_252] {strides = array<i32>} : memref<8x128xf32, #tpu.memory_space<vmem>>, vector<16xf32>,
    tpu.vector_store %arg12[%swap3A_251, %swap3A_252], %convert_element_type3A {strides = array<i32>} : memref<8x128xf32, #tpu.memory_space<vmem>>, vector<16xf32>,
    %swap3A_254 = arith.constant 5 : i32
    %swap3A_255 = arith.index_cast %swap3A_254 : i32 to index
    %swap3A_256 = arith.constant 64 : index
    %swap3A_257 = tpu.vector_load %arg12[%swap3A_255, %swap3A_256] {strides = array<i32>} : memref<8x128xf32, #tpu.memory_space<vmem>>, vector<16xf32>,
    tpu.vector_store %arg12[%swap3A_255, %swap3A_256], %convert_element_type3A {strides = array<i32>} : memref<8x128xf32, #tpu.memory_space<vmem>>, vector<16xf32>,
    %swap3A_258 = arith.constant 5 : i32
    %swap3A_259 = arith.index_cast %swap3A_258 : i32 to index
    %swap3A_260 = arith.constant 80 : index
    %swap3A_261 = tpu.vector_load %arg12[%swap3A_259, %swap3A_260] {strides = array<i32>} : memref<8x128xf32, #tpu.memory_space<vmem>>, vector<16xf32>,
    tpu.vector_store %arg12[%swap3A_259, %swap3A_260], %convert_element_type3A {strides = array<i32>} : memref<8x128xf32, #tpu.memory_space<vmem>>, vector<16xf32>,
    %swap3A_262 = arith.constant 5 : i32
    %swap3A_263 = arith.index_cast %swap3A_262 : i32 to index
    %swap3A_264 = arith.constant 96 : index
    %swap3A_265 = tpu.vector_load %arg12[%swap3A_263, %swap3A_264] {strides = array<i32>} : memref<8x128xf32, #tpu.memory_space<vmem>>, vector<16xf32>,
    tpu.vector_store %arg12[%swap3A_263, %swap3A_264], %convert_element_type3A {strides = array<i32>} : memref<8x128xf32, #tpu.memory_space<vmem>>, vector<16xf32>,
    %swap3A_266 = arith.constant 5 : i32
    %swap3A_267 = arith.index_cast %swap3A_266 : i32 to index
    %swap3A_268 = arith.constant 112 : index
    %swap3A_269 = tpu.vector_load %arg12[%swap3A_267, %swap3A_268] {strides = array<i32>} : memref<8x128xf32, #tpu.memory_space<vmem>>, vector<16xf32>,
    tpu.vector_store %arg12[%swap3A_267, %swap3A_268], %convert_element_type3A {strides = array<i32>} : memref<8x128xf32, #tpu.memory_space<vmem>>, vector<16xf32>,
    %swap3A_270 = arith.constant 6 : i32
    %swap3A_271 = arith.index_cast %swap3A_270 : i32 to index
    %swap3A_272 = arith.constant 0 : index
    %swap3A_273 = tpu.vector_load %arg12[%swap3A_271, %swap3A_272] {strides = array<i32>} : memref<8x128xf32, #tpu.memory_space<vmem>>, vector<16xf32>,
    tpu.vector_store %arg12[%swap3A_271, %swap3A_272], %convert_element_type3A {strides = array<i32>} : memref<8x128xf32, #tpu.memory_space<vmem>>, vector<16xf32>,
    %swap3A_274 = arith.constant 6 : i32
    %swap3A_275 = arith.index_cast %swap3A_274 : i32 to index
    %swap3A_276 = arith.constant 16 : index
    %swap3A_277 = tpu.vector_load %arg12[%swap3A_275, %swap3A_276] {strides = array<i32>} : memref<8x128xf32, #tpu.memory_space<vmem>>, vector<16xf32>,
    tpu.vector_store %arg12[%swap3A_275, %swap3A_276], %convert_element_type3A {strides = array<i32>} : memref<8x128xf32, #tpu.memory_space<vmem>>, vector<16xf32>,
    %swap3A_278 = arith.constant 6 : i32
    %swap3A_279 = arith.index_cast %swap3A_278 : i32 to index
    %swap3A_280 = arith.constant 32 : index
    %swap3A_281 = tpu.vector_load %arg12[%swap3A_279, %swap3A_280] {strides = array<i32>} : memref<8x128xf32, #tpu.memory_space<vmem>>, vector<16xf32>,
    tpu.vector_store %arg12[%swap3A_279, %swap3A_280], %convert_element_type3A {strides = array<i32>} : memref<8x128xf32, #tpu.memory_space<vmem>>, vector<16xf32>,
    %swap3A_282 = arith.constant 6 : i32
    %swap3A_283 = arith.index_cast %swap3A_282 : i32 to index
    %swap3A_284 = arith.constant 48 : index
    %swap3A_285 = tpu.vector_load %arg12[%swap3A_283, %swap3A_284] {strides = array<i32>} : memref<8x128xf32, #tpu.memory_space<vmem>>, vector<16xf32>,
    tpu.vector_store %arg12[%swap3A_283, %swap3A_284], %convert_element_type3A {strides = array<i32>} : memref<8x128xf32, #tpu.memory_space<vmem>>, vector<16xf32>,
    %swap3A_286 = arith.constant 6 : i32
    %swap3A_287 = arith.index_cast %swap3A_286 : i32 to index
    %swap3A_288 = arith.constant 64 : index
    %swap3A_289 = tpu.vector_load %arg12[%swap3A_287, %swap3A_288] {strides = array<i32>} : memref<8x128xf32, #tpu.memory_space<vmem>>, vector<16xf32>,
    tpu.vector_store %arg12[%swap3A_287, %swap3A_288], %convert_element_type3A {strides = array<i32>} : memref<8x128xf32, #tpu.memory_space<vmem>>, vector<16xf32>,
    %swap3A_290 = arith.constant 6 : i32
    %swap3A_291 = arith.index_cast %swap3A_290 : i32 to index
    %swap3A_292 = arith.constant 80 : index
    %swap3A_293 = tpu.vector_load %arg12[%swap3A_291, %swap3A_292] {strides = array<i32>} : memref<8x128xf32, #tpu.memory_space<vmem>>, vector<16xf32>,
    tpu.vector_store %arg12[%swap3A_291, %swap3A_292], %convert_element_type3A {strides = array<i32>} : memref<8x128xf32, #tpu.memory_space<vmem>>, vector<16xf32>,
    %swap3A_294 = arith.constant 6 : i32
    %swap3A_295 = arith.index_cast %swap3A_294 : i32 to index
    %swap3A_296 = arith.constant 96 : index
    %swap3A_297 = tpu.vector_load %arg12[%swap3A_295, %swap3A_296] {strides = array<i32>} : memref<8x128xf32, #tpu.memory_space<vmem>>, vector<16xf32>,
    tpu.vector_store %arg12[%swap3A_295, %swap3A_296], %convert_element_type3A {strides = array<i32>} : memref<8x128xf32, #tpu.memory_space<vmem>>, vector<16xf32>,
    %swap3A_298 = arith.constant 6 : i32
    %swap3A_299 = arith.index_cast %swap3A_298 : i32 to index
    %swap3A_300 = arith.constant 112 : index
    %swap3A_301 = tpu.vector_load %arg12[%swap3A_299, %swap3A_300] {strides = array<i32>} : memref<8x128xf32, #tpu.memory_space<vmem>>, vector<16xf32>,
    tpu.vector_store %arg12[%swap3A_299, %swap3A_300], %convert_element_type3A {strides = array<i32>} : memref<8x128xf32, #tpu.memory_space<vmem>>, vector<16xf32>,
    %swap3A_302 = arith.constant 7 : i32
    %swap3A_303 = arith.index_cast %swap3A_302 : i32 to index
    %swap3A_304 = arith.constant 0 : index
    %swap3A_305 = tpu.vector_load %arg12[%swap3A_303, %swap3A_304] {strides = array<i32>} : memref<8x128xf32, #tpu.memory_space<vmem>>, vector<16xf32>,
    tpu.vector_store %arg12[%swap3A_303, %swap3A_304], %convert_element_type3A {strides = array<i32>} : memref<8x128xf32, #tpu.memory_space<vmem>>, vector<16xf32>,
    %swap3A_306 = arith.constant 7 : i32
    %swap3A_307 = arith.index_cast %swap3A_306 : i32 to index
    %swap3A_308 = arith.constant 16 : index
    %swap3A_309 = tpu.vector_load %arg12[%swap3A_307, %swap3A_308] {strides = array<i32>} : memref<8x128xf32, #tpu.memory_space<vmem>>, vector<16xf32>,
    tpu.vector_store %arg12[%swap3A_307, %swap3A_308], %convert_element_type3A {strides = array<i32>} : memref<8x128xf32, #tpu.memory_space<vmem>>, vector<16xf32>,
    %swap3A_310 = arith.constant 7 : i32
    %swap3A_311 = arith.index_cast %swap3A_310 : i32 to index
    %swap3A_312 = arith.constant 32 : index
    %swap3A_313 = tpu.vector_load %arg12[%swap3A_311, %swap3A_312] {strides = array<i32>} : memref<8x128xf32, #tpu.memory_space<vmem>>, vector<16xf32>,
    tpu.vector_store %arg12[%swap3A_311, %swap3A_312], %convert_element_type3A {strides = array<i32>} : memref<8x128xf32, #tpu.memory_space<vmem>>, vector<16xf32>,
    %swap3A_314 = arith.constant 7 : i32
    %swap3A_315 = arith.index_cast %swap3A_314 : i32 to index
    %swap3A_316 = arith.constant 48 : index
    %swap3A_317 = tpu.vector_load %arg12[%swap3A_315, %swap3A_316] {strides = array<i32>} : memref<8x128xf32, #tpu.memory_space<vmem>>, vector<16xf32>,
    tpu.vector_store %arg12[%swap3A_315, %swap3A_316], %convert_element_type3A {strides = array<i32>} : memref<8x128xf32, #tpu.memory_space<vmem>>, vector<16xf32>,
    %swap3A_318 = arith.constant 7 : i32
    %swap3A_319 = arith.index_cast %swap3A_318 : i32 to index
    %swap3A_320 = arith.constant 64 : index
    %swap3A_321 = tpu.vector_load %arg12[%swap3A_319, %swap3A_320] {strides = array<i32>} : memref<8x128xf32, #tpu.memory_space<vmem>>, vector<16xf32>,
    tpu.vector_store %arg12[%swap3A_319, %swap3A_320], %convert_element_type3A {strides = array<i32>} : memref<8x128xf32, #tpu.memory_space<vmem>>, vector<16xf32>,
    %swap3A_322 = arith.constant 7 : i32
    %swap3A_323 = arith.index_cast %swap3A_322 : i32 to index
    %swap3A_324 = arith.constant 80 : index
    %swap3A_325 = tpu.vector_load %arg12[%swap3A_323, %swap3A_324] {strides = array<i32>} : memref<8x128xf32, #tpu.memory_space<vmem>>, vector<16xf32>,
    tpu.vector_store %arg12[%swap3A_323, %swap3A_324], %convert_element_type3A {strides = array<i32>} : memref<8x128xf32, #tpu.memory_space<vmem>>, vector<16xf32>,
    %swap3A_326 = arith.constant 7 : i32
    %swap3A_327 = arith.index_cast %swap3A_326 : i32 to index
    %swap3A_328 = arith.constant 96 : index
    %swap3A_329 = tpu.vector_load %arg12[%swap3A_327, %swap3A_328] {strides = array<i32>} : memref<8x128xf32, #tpu.memory_space<vmem>>, vector<16xf32>,
    tpu.vector_store %arg12[%swap3A_327, %swap3A_328], %convert_element_type3A {strides = array<i32>} : memref<8x128xf32, #tpu.memory_space<vmem>>, vector<16xf32>,
    %swap3A_330 = arith.constant 7 : i32
    %swap3A_331 = arith.index_cast %swap3A_330 : i32 to index
    %swap3A_332 = arith.constant 112 : index
    %swap3A_333 = tpu.vector_load %arg12[%swap3A_331, %swap3A_332] {strides = array<i32>} : memref<8x128xf32, #tpu.memory_space<vmem>>, vector<16xf32>,
    tpu.vector_store %arg12[%swap3A_331, %swap3A_332], %convert_element_type3A {strides = array<i32>} : memref<8x128xf32, #tpu.memory_space<vmem>>, vector<16xf32>,
    "tpu.trace_start"() <{level = 10 : i32, message = "init_wait"}> : () -> ()
    %dma_start3A_334 = arith.constant 0 : i32
    %dma_start3A_335 = tpu.memref_slice %arg8[%mul3A_0, %dma_start3A_334] : memref<1024x128xf32, #tpu.memory_space<vmem_shared>> -> memref<64x128xf32, #tpu.memory_space<vmem_shared>>
    %dma_start3A_336 = arith.constant 0 : i32
    %dma_start3A_337 = tpu.memref_slice %arg4[%mul3A_0, %dma_start3A_336] : memref<1024x128xf32, #tpu.memory_space<hbm>> -> memref<64x128xf32, #tpu.memory_space<hbm>>
    tpu.enqueue_dma source(%dma_start3A_337 : memref<64x128xf32, #tpu.memory_space<hbm>>) target(%dma_start3A_335 : memref<64x128xf32, #tpu.memory_space<vmem_shared>>) target_semaphore(%arg19 : memref<!tpu.dma_semaphore, #tpu.memory_space<semaphore_mem>>)
    %eq3A = arith.constant 0 : i32
    %eq3A_338 = arith.cmpi eq, %arg1, %eq3A : i32
    %convert_element_type3A_339 = arith.extui %eq3A_338 : i1 to i32
    %cond3A = arith.constant 0 : i32
    %cond3A_340 = arith.cmpi ne, %convert_element_type3A_339, %cond3A : i32
    scf.if %cond3A_340 {
      %dma_start3A_523 = arith.constant 0 : i32
      %dma_start3A_524 = arith.constant 0 : i32
      %dma_start3A_525 = tpu.memref_slice %arg4[%dma_start3A_523, %dma_start3A_524] : memref<1024x128xf32, #tpu.memory_space<hbm>> -> memref<8x128xf32, #tpu.memory_space<hbm>>
      tpu.enqueue_dma source(%dma_start3A_525 : memref<8x128xf32, #tpu.memory_space<hbm>>) target(%arg9 : memref<8x128xf32, #tpu.memory_space<vmem_shared>>) target_semaphore(%arg19 : memref<!tpu.dma_semaphore, #tpu.memory_space<semaphore_mem>>)
      %dma_wait3A_526 = arith.constant 0 : i32
      %dma_wait3A_527 = arith.constant 0 : i32
      %dma_wait3A_528 = tpu.memref_slice %arg4[%dma_wait3A_526, %dma_wait3A_527] : memref<1024x128xf32, #tpu.memory_space<hbm>> -> memref<8x128xf32, #tpu.memory_space<hbm>>
      tpu.wait_dma2 semaphore(%arg19 : memref<!tpu.dma_semaphore, #tpu.memory_space<semaphore_mem>>) src(%dma_wait3A_528 : memref<8x128xf32, #tpu.memory_space<hbm>>) dst(%arg9 : memref<8x128xf32, #tpu.memory_space<vmem_shared>>)
    } else {
    }
    %dma_wait3A = arith.constant 0 : i32
    %dma_wait3A_341 = tpu.memref_slice %arg8[%mul3A_0, %dma_wait3A] : memref<1024x128xf32, #tpu.memory_space<vmem_shared>> -> memref<64x128xf32, #tpu.memory_space<vmem_shared>>
    %dma_wait3A_342 = arith.constant 0 : i32
    %dma_wait3A_343 = tpu.memref_slice %arg4[%mul3A_0, %dma_wait3A_342] : memref<1024x128xf32, #tpu.memory_space<hbm>> -> memref<64x128xf32, #tpu.memory_space<hbm>>
    tpu.wait_dma2 semaphore(%arg19 : memref<!tpu.dma_semaphore, #tpu.memory_space<semaphore_mem>>) src(%dma_wait3A_343 : memref<64x128xf32, #tpu.memory_space<hbm>>) dst(%dma_wait3A_341 : memref<64x128xf32, #tpu.memory_space<vmem_shared>>)
    %dma_wait3A_344 = arith.constant 0 : i32
    %dma_wait3A_345 = tpu.memref_slice %arg3[%add3A, %dma_wait3A_344] : memref<128x128xi32, #tpu.memory_space<hbm>> -> memref<4x128xi32, #tpu.memory_space<hbm>>
    %dma_wait3A_346 = arith.constant 0 : i32
    %dma_wait3A_347 = tpu.memref_slice %arg3[%add3A, %dma_wait3A_346] : memref<128x128xi32, #tpu.memory_space<hbm>> -> memref<4x128xi32, #tpu.memory_space<hbm>>
    tpu.wait_dma2 semaphore(%arg19 : memref<!tpu.dma_semaphore, #tpu.memory_space<semaphore_mem>>) src(%dma_wait3A_347 : memref<4x128xi32, #tpu.memory_space<hbm>>) dst(%arg10 : memref<4x128xi32, #tpu.memory_space<vmem>>)
    tpu.wait_dma2 semaphore(%arg19 : memref<!tpu.dma_semaphore, #tpu.memory_space<semaphore_mem>>) src(%arg5 : memref<8xi32, #tpu.memory_space<hbm>>) dst(%arg13 : memref<8xi32, #tpu.memory_space<vmem>>)
    "tpu.trace_stop"() : () -> ()
    "tpu.trace_start"() <{level = 10 : i32, message = "histogram"}> : () -> ()
    %scan3A = arith.constant 0 : i32
    %scan3A_348 = arith.constant 0 : i32
    %scan3A_349 = arith.constant 32 : i32
    %scan3A_350 = arith.addi %scan3A_348, %scan3A_349 : i32
    %scan3A_351 = arith.constant 1 : i32
    scf.for %scan3A_523 = %scan3A_348 to %scan3A_350 step %scan3A_351  : i32 {
      %jit3A = arith.constant 8 : i32
      %div3A = arith.divsi %scan3A_523, %jit3A : i32
      %sign3A = arith.constant 0 : i32
      %sign3A_524 = arith.cmpi sgt, %scan3A_523, %sign3A : i32
      %sign3A_525 = arith.extui %sign3A_524 : i1 to i32
      %sign3A_526 = arith.constant 0 : i32
      %sign3A_527 = arith.cmpi slt, %scan3A_523, %sign3A_526 : i32
      %sign3A_528 = arith.extui %sign3A_527 : i1 to i32
      %sign3A_529 = arith.subi %sign3A_525, %sign3A_528 : i32
      %sign3A_530 = arith.constant 0 : i32
      %sign3A_531 = arith.cmpi sgt, %jit3A, %sign3A_530 : i32
      %sign3A_532 = arith.extui %sign3A_531 : i1 to i32
      %sign3A_533 = arith.constant 0 : i32
      %sign3A_534 = arith.cmpi slt, %jit3A, %sign3A_533 : i32
      %sign3A_535 = arith.extui %sign3A_534 : i1 to i32
      %sign3A_536 = arith.subi %sign3A_532, %sign3A_535 : i32
      %ne3A = arith.cmpi ne, %sign3A_529, %sign3A_536 : i32
      %rem3A = arith.remsi %scan3A_523, %jit3A : i32
      %ne3A_537 = arith.constant 0 : i32
      %ne3A_538 = arith.cmpi ne, %rem3A, %ne3A_537 : i32
      %and3A = arith.andi %ne3A, %ne3A_538 : i1
      %sub3A = arith.constant 1 : i32
      %sub3A_539 = arith.subi %div3A, %sub3A : i32
      %select_n3A = arith.select %and3A, %sub3A_539, %div3A : i32
      %rem3A_540 = arith.constant 8 : i32
      %rem3A_541 = arith.remsi %scan3A_523, %rem3A_540 : i32
      %mul3A_542 = arith.constant 16 : i32
      %mul3A_543 = arith.muli %rem3A_541, %mul3A_542 : i32
      %get3A = arith.index_cast %select_n3A : i32 to index
      %get3A_544 = arith.index_cast %mul3A_543 : i32 to index
      %get3A_545 = tpu.vector_load %arg10[%get3A, %get3A_544] {strides = array<i32>} : memref<4x128xi32, #tpu.memory_space<vmem>>, vector<16xi32>,
      %shift_right_logical3A = arith.constant 7 : i32
      %shift_right_logical3A_546 = vector.broadcast %shift_right_logical3A : i32 to vector<16xi32>
      %shift_right_logical3A_547 = arith.shrui %get3A_545, %shift_right_logical3A_546 : vector<16xi32>
      %and3A_548 = arith.constant 127 : i32
      %and3A_549 = vector.broadcast %and3A_548 : i32 to vector<16xi32>
      %and3A_550 = arith.andi %get3A_545, %and3A_549 : vector<16xi32>
      tpu.vector_store_idx %arg12[%shift_right_logical3A_547, %and3A_550], %add3A_78 {add = true} : memref<8x128xf32, #tpu.memory_space<vmem>>[vector<16xi32>, vector<16xi32>], vector<16xf32>,
    }
    %scan3A_352 = arith.constant 32 : i32
    %barrier3A = arith.constant 0 : index
    tpu.barrier barrier_id(%barrier3A)
    %dma_start3A_353 = arith.constant 0 : i32
    %dma_start3A_354 = arith.constant 0 : i32
    %dma_start3A_355 = tpu.memref_slice %arg9[%dma_start3A_353, %dma_start3A_354] : memref<8x128xf32, #tpu.memory_space<vmem_shared>> -> memref<8x128xf32, #tpu.memory_space<vmem_shared>>
    tpu.enqueue_indirect_dma source(%arg12 : memref<8x128xf32, #tpu.memory_space<vmem>>) target(%dma_start3A_355 : memref<8x128xf32, #tpu.memory_space<vmem_shared>>) offsets(%arg13 : memref<8xi32, #tpu.memory_space<vmem>>) semaphore(%arg18 : memref<!tpu.dma_semaphore, #tpu.memory_space<semaphore_mem>>) {add = true}
    %dma_wait3A_356 = arith.constant 0 : i32
    "tpu.trace_stop"() : () -> ()
    "tpu.trace_start"() <{level = 10 : i32, message = "scatter"}> : () -> ()
    %dma_wait3A_357 = arith.constant 0 : i32
    %dma_wait3A_358 = arith.constant 0 : i32
    %dma_wait3A_359 = tpu.memref_slice %arg11[%dma_wait3A_356, %dma_wait3A_357, %dma_wait3A_358] : memref<4x128x128xf32, #tpu.memory_space<vmem>> -> memref<1x128x128xf32, #tpu.memory_space<vmem>>
    %dma_wait3A_360 = tpu.memref_squeeze %dma_wait3A_359 : memref<1x128x128xf32, #tpu.memory_space<vmem>> -> memref<128x128xf32, #tpu.memory_space<vmem>>
    %dma_wait3A_361 = arith.constant 0 : i32
    %dma_wait3A_362 = tpu.memref_slice %arg2[%add3A_11, %dma_wait3A_361] : memref<16384x128xf32, #tpu.memory_space<hbm>> -> memref<128x128xf32, #tpu.memory_space<hbm>>
    %dma_wait3A_363 = arith.constant 0 : i32
    %dma_wait3A_364 = arith.constant 0 : i32
    %dma_wait3A_365 = tpu.memref_slice %arg11[%dma_wait3A_356, %dma_wait3A_363, %dma_wait3A_364] : memref<4x128x128xf32, #tpu.memory_space<vmem>> -> memref<1x128x128xf32, #tpu.memory_space<vmem>>
    %dma_wait3A_366 = tpu.memref_squeeze %dma_wait3A_365 : memref<1x128x128xf32, #tpu.memory_space<vmem>> -> memref<128x128xf32, #tpu.memory_space<vmem>>
    %dma_wait3A_367 = arith.constant 0 : i32
    %dma_wait3A_368 = tpu.memref_slice %arg2[%add3A_11, %dma_wait3A_367] : memref<16384x128xf32, #tpu.memory_space<hbm>> -> memref<128x128xf32, #tpu.memory_space<hbm>>
    tpu.wait_dma2 semaphore(%arg14 : memref<!tpu.dma_semaphore, #tpu.memory_space<semaphore_mem>>) src(%dma_wait3A_368 : memref<128x128xf32, #tpu.memory_space<hbm>>) dst(%dma_wait3A_366 : memref<128x128xf32, #tpu.memory_space<vmem>>)
    %dma_start3A_369 = arith.constant 0 : i32
    %dma_start3A_370 = arith.constant 0 : i32
    %dma_start3A_371 = arith.constant 0 : i32
    %dma_start3A_372 = arith.constant 0 : i32
    %dma_start3A_373 = tpu.memref_slice %arg11[%dma_start3A_369, %dma_start3A_371, %dma_start3A_372] : memref<4x128x128xf32, #tpu.memory_space<vmem>> -> memref<1x128x128xf32, #tpu.memory_space<vmem>>
    %dma_start3A_374 = tpu.memref_squeeze %dma_start3A_373 : memref<1x128x128xf32, #tpu.memory_space<vmem>> -> memref<128x128xf32, #tpu.memory_space<vmem>>
    %dma_start3A_375 = arith.constant 0 : i32
    %dma_start3A_376 = tpu.memref_slice %arg10[%dma_start3A_370, %dma_start3A_375] : memref<4x128xi32, #tpu.memory_space<vmem>> -> memref<1x128xi32, #tpu.memory_space<vmem>>
    %dma_start3A_377 = tpu.memref_squeeze %dma_start3A_376 : memref<1x128xi32, #tpu.memory_space<vmem>> -> memref<128xi32, #tpu.memory_space<vmem>>
    %dma_start3A_378 = arith.constant 0 : i32
    %dma_start3A_379 = arith.constant 0 : i32
    %dma_start3A_380 = tpu.memref_slice %arg8[%dma_start3A_378, %dma_start3A_379] : memref<1024x128xf32, #tpu.memory_space<vmem_shared>> -> memref<1024x128xf32, #tpu.memory_space<vmem_shared>>
    tpu.enqueue_indirect_dma source(%dma_start3A_374 : memref<128x128xf32, #tpu.memory_space<vmem>>) target(%dma_start3A_380 : memref<1024x128xf32, #tpu.memory_space<vmem_shared>>) offsets(%dma_start3A_377 : memref<128xi32, #tpu.memory_space<vmem>>) semaphore(%arg18 : memref<!tpu.dma_semaphore, #tpu.memory_space<semaphore_mem>>) {add = true}
    %dma_wait3A_381 = arith.constant 1 : i32
    %dma_wait3A_382 = arith.constant 0 : i32
    %dma_wait3A_383 = arith.constant 0 : i32
    %dma_wait3A_384 = tpu.memref_slice %arg11[%dma_wait3A_381, %dma_wait3A_382, %dma_wait3A_383] : memref<4x128x128xf32, #tpu.memory_space<vmem>> -> memref<1x128x128xf32, #tpu.memory_space<vmem>>
    %dma_wait3A_385 = tpu.memref_squeeze %dma_wait3A_384 : memref<1x128x128xf32, #tpu.memory_space<vmem>> -> memref<128x128xf32, #tpu.memory_space<vmem>>
    %dma_wait3A_386 = arith.constant 0 : i32
    %dma_wait3A_387 = tpu.memref_slice %arg2[%add3A_25, %dma_wait3A_386] : memref<16384x128xf32, #tpu.memory_space<hbm>> -> memref<128x128xf32, #tpu.memory_space<hbm>>
    %dma_wait3A_388 = arith.constant 0 : i32
    %dma_wait3A_389 = arith.constant 0 : i32
    %dma_wait3A_390 = tpu.memref_slice %arg11[%dma_wait3A_381, %dma_wait3A_388, %dma_wait3A_389] : memref<4x128x128xf32, #tpu.memory_space<vmem>> -> memref<1x128x128xf32, #tpu.memory_space<vmem>>
    %dma_wait3A_391 = tpu.memref_squeeze %dma_wait3A_390 : memref<1x128x128xf32, #tpu.memory_space<vmem>> -> memref<128x128xf32, #tpu.memory_space<vmem>>
    %dma_wait3A_392 = arith.constant 0 : i32
    %dma_wait3A_393 = tpu.memref_slice %arg2[%add3A_25, %dma_wait3A_392] : memref<16384x128xf32, #tpu.memory_space<hbm>> -> memref<128x128xf32, #tpu.memory_space<hbm>>
    tpu.wait_dma2 semaphore(%arg15 : memref<!tpu.dma_semaphore, #tpu.memory_space<semaphore_mem>>) src(%dma_wait3A_393 : memref<128x128xf32, #tpu.memory_space<hbm>>) dst(%dma_wait3A_391 : memref<128x128xf32, #tpu.memory_space<vmem>>)
    %dma_start3A_394 = arith.constant 1 : i32
    %dma_start3A_395 = arith.constant 1 : i32
    %dma_start3A_396 = arith.constant 0 : i32
    %dma_start3A_397 = arith.constant 0 : i32
    %dma_start3A_398 = tpu.memref_slice %arg11[%dma_start3A_394, %dma_start3A_396, %dma_start3A_397] : memref<4x128x128xf32, #tpu.memory_space<vmem>> -> memref<1x128x128xf32, #tpu.memory_space<vmem>>
    %dma_start3A_399 = tpu.memref_squeeze %dma_start3A_398 : memref<1x128x128xf32, #tpu.memory_space<vmem>> -> memref<128x128xf32, #tpu.memory_space<vmem>>
    %dma_start3A_400 = arith.constant 0 : i32
    %dma_start3A_401 = tpu.memref_slice %arg10[%dma_start3A_395, %dma_start3A_400] : memref<4x128xi32, #tpu.memory_space<vmem>> -> memref<1x128xi32, #tpu.memory_space<vmem>>
    %dma_start3A_402 = tpu.memref_squeeze %dma_start3A_401 : memref<1x128xi32, #tpu.memory_space<vmem>> -> memref<128xi32, #tpu.memory_space<vmem>>
    %dma_start3A_403 = arith.constant 0 : i32
    %dma_start3A_404 = arith.constant 0 : i32
    %dma_start3A_405 = tpu.memref_slice %arg8[%dma_start3A_403, %dma_start3A_404] : memref<1024x128xf32, #tpu.memory_space<vmem_shared>> -> memref<1024x128xf32, #tpu.memory_space<vmem_shared>>
    tpu.enqueue_indirect_dma source(%dma_start3A_399 : memref<128x128xf32, #tpu.memory_space<vmem>>) target(%dma_start3A_405 : memref<1024x128xf32, #tpu.memory_space<vmem_shared>>) offsets(%dma_start3A_402 : memref<128xi32, #tpu.memory_space<vmem>>) semaphore(%arg18 : memref<!tpu.dma_semaphore, #tpu.memory_space<semaphore_mem>>) {add = true}
    %dma_wait3A_406 = arith.constant 2 : i32
    %dma_wait3A_407 = arith.constant 0 : i32
    %dma_wait3A_408 = arith.constant 0 : i32
    %dma_wait3A_409 = tpu.memref_slice %arg11[%dma_wait3A_406, %dma_wait3A_407, %dma_wait3A_408] : memref<4x128x128xf32, #tpu.memory_space<vmem>> -> memref<1x128x128xf32, #tpu.memory_space<vmem>>
    %dma_wait3A_410 = tpu.memref_squeeze %dma_wait3A_409 : memref<1x128x128xf32, #tpu.memory_space<vmem>> -> memref<128x128xf32, #tpu.memory_space<vmem>>
    %dma_wait3A_411 = arith.constant 0 : i32
    %dma_wait3A_412 = tpu.memref_slice %arg2[%add3A_40, %dma_wait3A_411] : memref<16384x128xf32, #tpu.memory_space<hbm>> -> memref<128x128xf32, #tpu.memory_space<hbm>>
    %dma_wait3A_413 = arith.constant 0 : i32
    %dma_wait3A_414 = arith.constant 0 : i32
    %dma_wait3A_415 = tpu.memref_slice %arg11[%dma_wait3A_406, %dma_wait3A_413, %dma_wait3A_414] : memref<4x128x128xf32, #tpu.memory_space<vmem>> -> memref<1x128x128xf32, #tpu.memory_space<vmem>>
    %dma_wait3A_416 = tpu.memref_squeeze %dma_wait3A_415 : memref<1x128x128xf32, #tpu.memory_space<vmem>> -> memref<128x128xf32, #tpu.memory_space<vmem>>
    %dma_wait3A_417 = arith.constant 0 : i32
    %dma_wait3A_418 = tpu.memref_slice %arg2[%add3A_40, %dma_wait3A_417] : memref<16384x128xf32, #tpu.memory_space<hbm>> -> memref<128x128xf32, #tpu.memory_space<hbm>>
    tpu.wait_dma2 semaphore(%arg16 : memref<!tpu.dma_semaphore, #tpu.memory_space<semaphore_mem>>) src(%dma_wait3A_418 : memref<128x128xf32, #tpu.memory_space<hbm>>) dst(%dma_wait3A_416 : memref<128x128xf32, #tpu.memory_space<vmem>>)
    %dma_start3A_419 = arith.constant 2 : i32
    %dma_start3A_420 = arith.constant 2 : i32
    %dma_start3A_421 = arith.constant 0 : i32
    %dma_start3A_422 = arith.constant 0 : i32
    %dma_start3A_423 = tpu.memref_slice %arg11[%dma_start3A_419, %dma_start3A_421, %dma_start3A_422] : memref<4x128x128xf32, #tpu.memory_space<vmem>> -> memref<1x128x128xf32, #tpu.memory_space<vmem>>
    %dma_start3A_424 = tpu.memref_squeeze %dma_start3A_423 : memref<1x128x128xf32, #tpu.memory_space<vmem>> -> memref<128x128xf32, #tpu.memory_space<vmem>>
    %dma_start3A_425 = arith.constant 0 : i32
    %dma_start3A_426 = tpu.memref_slice %arg10[%dma_start3A_420, %dma_start3A_425] : memref<4x128xi32, #tpu.memory_space<vmem>> -> memref<1x128xi32, #tpu.memory_space<vmem>>
    %dma_start3A_427 = tpu.memref_squeeze %dma_start3A_426 : memref<1x128xi32, #tpu.memory_space<vmem>> -> memref<128xi32, #tpu.memory_space<vmem>>
    %dma_start3A_428 = arith.constant 0 : i32
    %dma_start3A_429 = arith.constant 0 : i32
    %dma_start3A_430 = tpu.memref_slice %arg8[%dma_start3A_428, %dma_start3A_429] : memref<1024x128xf32, #tpu.memory_space<vmem_shared>> -> memref<1024x128xf32, #tpu.memory_space<vmem_shared>>
    tpu.enqueue_indirect_dma source(%dma_start3A_424 : memref<128x128xf32, #tpu.memory_space<vmem>>) target(%dma_start3A_430 : memref<1024x128xf32, #tpu.memory_space<vmem_shared>>) offsets(%dma_start3A_427 : memref<128xi32, #tpu.memory_space<vmem>>) semaphore(%arg18 : memref<!tpu.dma_semaphore, #tpu.memory_space<semaphore_mem>>) {add = true}
    %dma_wait3A_431 = arith.constant 3 : i32
    %dma_wait3A_432 = arith.constant 0 : i32
    %dma_wait3A_433 = arith.constant 0 : i32
    %dma_wait3A_434 = tpu.memref_slice %arg11[%dma_wait3A_431, %dma_wait3A_432, %dma_wait3A_433] : memref<4x128x128xf32, #tpu.memory_space<vmem>> -> memref<1x128x128xf32, #tpu.memory_space<vmem>>
    %dma_wait3A_435 = tpu.memref_squeeze %dma_wait3A_434 : memref<1x128x128xf32, #tpu.memory_space<vmem>> -> memref<128x128xf32, #tpu.memory_space<vmem>>
    %dma_wait3A_436 = arith.constant 0 : i32
    %dma_wait3A_437 = tpu.memref_slice %arg2[%add3A_55, %dma_wait3A_436] : memref<16384x128xf32, #tpu.memory_space<hbm>> -> memref<128x128xf32, #tpu.memory_space<hbm>>
    %dma_wait3A_438 = arith.constant 0 : i32
    %dma_wait3A_439 = arith.constant 0 : i32
    %dma_wait3A_440 = tpu.memref_slice %arg11[%dma_wait3A_431, %dma_wait3A_438, %dma_wait3A_439] : memref<4x128x128xf32, #tpu.memory_space<vmem>> -> memref<1x128x128xf32, #tpu.memory_space<vmem>>
    %dma_wait3A_441 = tpu.memref_squeeze %dma_wait3A_440 : memref<1x128x128xf32, #tpu.memory_space<vmem>> -> memref<128x128xf32, #tpu.memory_space<vmem>>
    %dma_wait3A_442 = arith.constant 0 : i32
    %dma_wait3A_443 = tpu.memref_slice %arg2[%add3A_55, %dma_wait3A_442] : memref<16384x128xf32, #tpu.memory_space<hbm>> -> memref<128x128xf32, #tpu.memory_space<hbm>>
    tpu.wait_dma2 semaphore(%arg17 : memref<!tpu.dma_semaphore, #tpu.memory_space<semaphore_mem>>) src(%dma_wait3A_443 : memref<128x128xf32, #tpu.memory_space<hbm>>) dst(%dma_wait3A_441 : memref<128x128xf32, #tpu.memory_space<vmem>>)
    %dma_start3A_444 = arith.constant 3 : i32
    %dma_start3A_445 = arith.constant 3 : i32
    %dma_start3A_446 = arith.constant 0 : i32
    %dma_start3A_447 = arith.constant 0 : i32
    %dma_start3A_448 = tpu.memref_slice %arg11[%dma_start3A_444, %dma_start3A_446, %dma_start3A_447] : memref<4x128x128xf32, #tpu.memory_space<vmem>> -> memref<1x128x128xf32, #tpu.memory_space<vmem>>
    %dma_start3A_449 = tpu.memref_squeeze %dma_start3A_448 : memref<1x128x128xf32, #tpu.memory_space<vmem>> -> memref<128x128xf32, #tpu.memory_space<vmem>>
    %dma_start3A_450 = arith.constant 0 : i32
    %dma_start3A_451 = tpu.memref_slice %arg10[%dma_start3A_445, %dma_start3A_450] : memref<4x128xi32, #tpu.memory_space<vmem>> -> memref<1x128xi32, #tpu.memory_space<vmem>>
    %dma_start3A_452 = tpu.memref_squeeze %dma_start3A_451 : memref<1x128xi32, #tpu.memory_space<vmem>> -> memref<128xi32, #tpu.memory_space<vmem>>
    %dma_start3A_453 = arith.constant 0 : i32
    %dma_start3A_454 = arith.constant 0 : i32
    %dma_start3A_455 = tpu.memref_slice %arg8[%dma_start3A_453, %dma_start3A_454] : memref<1024x128xf32, #tpu.memory_space<vmem_shared>> -> memref<1024x128xf32, #tpu.memory_space<vmem_shared>>
    tpu.enqueue_indirect_dma source(%dma_start3A_449 : memref<128x128xf32, #tpu.memory_space<vmem>>) target(%dma_start3A_455 : memref<1024x128xf32, #tpu.memory_space<vmem_shared>>) offsets(%dma_start3A_452 : memref<128xi32, #tpu.memory_space<vmem>>) semaphore(%arg18 : memref<!tpu.dma_semaphore, #tpu.memory_space<semaphore_mem>>) {add = true}
    "tpu.trace_stop"() : () -> ()
    "tpu.trace_start"() <{level = 10 : i32, message = "drain"}> : () -> ()
    %dma_wait3A_456 = arith.constant 0 : i32
    %dma_wait3A_457 = arith.constant 0 : i32
    %dma_wait3A_458 = tpu.memref_slice %arg9[%dma_wait3A_456, %dma_wait3A_457] : memref<8x128xf32, #tpu.memory_space<vmem_shared>> -> memref<8x128xf32, #tpu.memory_space<vmem_shared>>
    tpu.wait_indirect_dma semaphore(%arg18 : memref<!tpu.dma_semaphore, #tpu.memory_space<semaphore_mem>>) src(%arg12 : memref<8x128xf32, #tpu.memory_space<vmem>>) dst(%dma_wait3A_458 : memref<8x128xf32, #tpu.memory_space<vmem_shared>>)
    %dma_wait3A_459 = arith.constant 0 : i32
    %dma_wait3A_460 = arith.constant 0 : i32
    %dma_wait3A_461 = arith.constant 0 : i32
    %dma_wait3A_462 = arith.constant 0 : i32
    %dma_wait3A_463 = tpu.memref_slice %arg11[%dma_wait3A_459, %dma_wait3A_461, %dma_wait3A_462] : memref<4x128x128xf32, #tpu.memory_space<vmem>> -> memref<1x128x128xf32, #tpu.memory_space<vmem>>
    %dma_wait3A_464 = tpu.memref_squeeze %dma_wait3A_463 : memref<1x128x128xf32, #tpu.memory_space<vmem>> -> memref<128x128xf32, #tpu.memory_space<vmem>>
    %dma_wait3A_465 = arith.constant 0 : i32
    %dma_wait3A_466 = tpu.memref_slice %arg10[%dma_wait3A_460, %dma_wait3A_465] : memref<4x128xi32, #tpu.memory_space<vmem>> -> memref<1x128xi32, #tpu.memory_space<vmem>>
    %dma_wait3A_467 = tpu.memref_squeeze %dma_wait3A_466 : memref<1x128xi32, #tpu.memory_space<vmem>> -> memref<128xi32, #tpu.memory_space<vmem>>
    %dma_wait3A_468 = arith.constant 0 : i32
    %dma_wait3A_469 = arith.constant 0 : i32
    %dma_wait3A_470 = tpu.memref_slice %arg8[%dma_wait3A_468, %dma_wait3A_469] : memref<1024x128xf32, #tpu.memory_space<vmem_shared>> -> memref<1024x128xf32, #tpu.memory_space<vmem_shared>>
    tpu.wait_indirect_dma semaphore(%arg18 : memref<!tpu.dma_semaphore, #tpu.memory_space<semaphore_mem>>) src(%dma_wait3A_464 : memref<128x128xf32, #tpu.memory_space<vmem>>) dst(%dma_wait3A_470 : memref<1024x128xf32, #tpu.memory_space<vmem_shared>>)
    %dma_wait3A_471 = arith.constant 1 : i32
    %dma_wait3A_472 = arith.constant 1 : i32
    %dma_wait3A_473 = arith.constant 0 : i32
    %dma_wait3A_474 = arith.constant 0 : i32
    %dma_wait3A_475 = tpu.memref_slice %arg11[%dma_wait3A_471, %dma_wait3A_473, %dma_wait3A_474] : memref<4x128x128xf32, #tpu.memory_space<vmem>> -> memref<1x128x128xf32, #tpu.memory_space<vmem>>
    %dma_wait3A_476 = tpu.memref_squeeze %dma_wait3A_475 : memref<1x128x128xf32, #tpu.memory_space<vmem>> -> memref<128x128xf32, #tpu.memory_space<vmem>>
    %dma_wait3A_477 = arith.constant 0 : i32
    %dma_wait3A_478 = tpu.memref_slice %arg10[%dma_wait3A_472, %dma_wait3A_477] : memref<4x128xi32, #tpu.memory_space<vmem>> -> memref<1x128xi32, #tpu.memory_space<vmem>>
    %dma_wait3A_479 = tpu.memref_squeeze %dma_wait3A_478 : memref<1x128xi32, #tpu.memory_space<vmem>> -> memref<128xi32, #tpu.memory_space<vmem>>
    %dma_wait3A_480 = arith.constant 0 : i32
    %dma_wait3A_481 = arith.constant 0 : i32
    %dma_wait3A_482 = tpu.memref_slice %arg8[%dma_wait3A_480, %dma_wait3A_481] : memref<1024x128xf32, #tpu.memory_space<vmem_shared>> -> memref<1024x128xf32, #tpu.memory_space<vmem_shared>>
    tpu.wait_indirect_dma semaphore(%arg18 : memref<!tpu.dma_semaphore, #tpu.memory_space<semaphore_mem>>) src(%dma_wait3A_476 : memref<128x128xf32, #tpu.memory_space<vmem>>) dst(%dma_wait3A_482 : memref<1024x128xf32, #tpu.memory_space<vmem_shared>>)
    %dma_wait3A_483 = arith.constant 2 : i32
    %dma_wait3A_484 = arith.constant 2 : i32
    %dma_wait3A_485 = arith.constant 0 : i32
    %dma_wait3A_486 = arith.constant 0 : i32
    %dma_wait3A_487 = tpu.memref_slice %arg11[%dma_wait3A_483, %dma_wait3A_485, %dma_wait3A_486] : memref<4x128x128xf32, #tpu.memory_space<vmem>> -> memref<1x128x128xf32, #tpu.memory_space<vmem>>
    %dma_wait3A_488 = tpu.memref_squeeze %dma_wait3A_487 : memref<1x128x128xf32, #tpu.memory_space<vmem>> -> memref<128x128xf32, #tpu.memory_space<vmem>>
    %dma_wait3A_489 = arith.constant 0 : i32
    %dma_wait3A_490 = tpu.memref_slice %arg10[%dma_wait3A_484, %dma_wait3A_489] : memref<4x128xi32, #tpu.memory_space<vmem>> -> memref<1x128xi32, #tpu.memory_space<vmem>>
    %dma_wait3A_491 = tpu.memref_squeeze %dma_wait3A_490 : memref<1x128xi32, #tpu.memory_space<vmem>> -> memref<128xi32, #tpu.memory_space<vmem>>
    %dma_wait3A_492 = arith.constant 0 : i32
    %dma_wait3A_493 = arith.constant 0 : i32
    %dma_wait3A_494 = tpu.memref_slice %arg8[%dma_wait3A_492, %dma_wait3A_493] : memref<1024x128xf32, #tpu.memory_space<vmem_shared>> -> memref<1024x128xf32, #tpu.memory_space<vmem_shared>>
    tpu.wait_indirect_dma semaphore(%arg18 : memref<!tpu.dma_semaphore, #tpu.memory_space<semaphore_mem>>) src(%dma_wait3A_488 : memref<128x128xf32, #tpu.memory_space<vmem>>) dst(%dma_wait3A_494 : memref<1024x128xf32, #tpu.memory_space<vmem_shared>>)
    %dma_wait3A_495 = arith.constant 3 : i32
    %dma_wait3A_496 = arith.constant 3 : i32
    %dma_wait3A_497 = arith.constant 0 : i32
    %dma_wait3A_498 = arith.constant 0 : i32
    %dma_wait3A_499 = tpu.memref_slice %arg11[%dma_wait3A_495, %dma_wait3A_497, %dma_wait3A_498] : memref<4x128x128xf32, #tpu.memory_space<vmem>> -> memref<1x128x128xf32, #tpu.memory_space<vmem>>
    %dma_wait3A_500 = tpu.memref_squeeze %dma_wait3A_499 : memref<1x128x128xf32, #tpu.memory_space<vmem>> -> memref<128x128xf32, #tpu.memory_space<vmem>>
    %dma_wait3A_501 = arith.constant 0 : i32
    %dma_wait3A_502 = tpu.memref_slice %arg10[%dma_wait3A_496, %dma_wait3A_501] : memref<4x128xi32, #tpu.memory_space<vmem>> -> memref<1x128xi32, #tpu.memory_space<vmem>>
    %dma_wait3A_503 = tpu.memref_squeeze %dma_wait3A_502 : memref<1x128xi32, #tpu.memory_space<vmem>> -> memref<128xi32, #tpu.memory_space<vmem>>
    %dma_wait3A_504 = arith.constant 0 : i32
    %dma_wait3A_505 = arith.constant 0 : i32
    %dma_wait3A_506 = tpu.memref_slice %arg8[%dma_wait3A_504, %dma_wait3A_505] : memref<1024x128xf32, #tpu.memory_space<vmem_shared>> -> memref<1024x128xf32, #tpu.memory_space<vmem_shared>>
    tpu.wait_indirect_dma semaphore(%arg18 : memref<!tpu.dma_semaphore, #tpu.memory_space<semaphore_mem>>) src(%dma_wait3A_500 : memref<128x128xf32, #tpu.memory_space<vmem>>) dst(%dma_wait3A_506 : memref<1024x128xf32, #tpu.memory_space<vmem_shared>>)
    %barrier3A_507 = arith.constant 0 : index
    tpu.barrier barrier_id(%barrier3A_507)
    "tpu.trace_stop"() : () -> ()
    "tpu.trace_start"() <{level = 10 : i32, message = "writeout"}> : () -> ()
    %dma_start3A_508 = arith.constant 0 : i32
    %dma_start3A_509 = tpu.memref_slice %arg6[%arg0, %mul3A_0, %dma_start3A_508] : memref<2x1024x128xf32, #tpu.memory_space<hbm>> -> memref<1x64x128xf32, #tpu.memory_space<hbm>>
    %dma_start3A_510 = tpu.memref_squeeze %dma_start3A_509 : memref<1x64x128xf32, #tpu.memory_space<hbm>> -> memref<64x128xf32, #tpu.memory_space<hbm>>
    %dma_start3A_511 = arith.constant 0 : i32
    %dma_start3A_512 = tpu.memref_slice %arg8[%mul3A_0, %dma_start3A_511] : memref<1024x128xf32, #tpu.memory_space<vmem_shared>> -> memref<64x128xf32, #tpu.memory_space<vmem_shared>>
    tpu.enqueue_dma source(%dma_start3A_512 : memref<64x128xf32, #tpu.memory_space<vmem_shared>>) target(%dma_start3A_510 : memref<64x128xf32, #tpu.memory_space<hbm>>) target_semaphore(%arg19 : memref<!tpu.dma_semaphore, #tpu.memory_space<semaphore_mem>>)
    %eq3A_513 = arith.constant 0 : i32
    %eq3A_514 = arith.cmpi eq, %arg1, %eq3A_513 : i32
    %convert_element_type3A_515 = arith.extui %eq3A_514 : i1 to i32
    %cond3A_516 = arith.constant 0 : i32
    %cond3A_517 = arith.cmpi ne, %convert_element_type3A_515, %cond3A_516 : i32
    scf.if %cond3A_517 {
      %dma_start3A_523 = arith.constant 0 : i32
      %dma_start3A_524 = arith.constant 0 : i32
      %dma_start3A_525 = tpu.memref_slice %arg7[%arg0, %dma_start3A_523, %dma_start3A_524] : memref<2x8x128xf32, #tpu.memory_space<hbm>> -> memref<1x8x128xf32, #tpu.memory_space<hbm>>
      %dma_start3A_526 = tpu.memref_squeeze %dma_start3A_525 : memref<1x8x128xf32, #tpu.memory_space<hbm>> -> memref<8x128xf32, #tpu.memory_space<hbm>>
      tpu.enqueue_dma source(%arg9 : memref<8x128xf32, #tpu.memory_space<vmem_shared>>) target(%dma_start3A_526 : memref<8x128xf32, #tpu.memory_space<hbm>>) target_semaphore(%arg19 : memref<!tpu.dma_semaphore, #tpu.memory_space<semaphore_mem>>)
      %dma_wait3A_527 = arith.constant 0 : i32
      %dma_wait3A_528 = arith.constant 0 : i32
      %dma_wait3A_529 = tpu.memref_slice %arg7[%arg0, %dma_wait3A_527, %dma_wait3A_528] : memref<2x8x128xf32, #tpu.memory_space<hbm>> -> memref<1x8x128xf32, #tpu.memory_space<hbm>>
      %dma_wait3A_530 = tpu.memref_squeeze %dma_wait3A_529 : memref<1x8x128xf32, #tpu.memory_space<hbm>> -> memref<8x128xf32, #tpu.memory_space<hbm>>
      tpu.wait_dma2 semaphore(%arg19 : memref<!tpu.dma_semaphore, #tpu.memory_space<semaphore_mem>>) src(%arg9 : memref<8x128xf32, #tpu.memory_space<vmem_shared>>) dst(%dma_wait3A_530 : memref<8x128xf32, #tpu.memory_space<hbm>>)
    } else {
    }
    %dma_wait3A_518 = arith.constant 0 : i32
    %dma_wait3A_519 = tpu.memref_slice %arg6[%arg0, %mul3A_0, %dma_wait3A_518] : memref<2x1024x128xf32, #tpu.memory_space<hbm>> -> memref<1x64x128xf32, #tpu.memory_space<hbm>>
    %dma_wait3A_520 = tpu.memref_squeeze %dma_wait3A_519 : memref<1x64x128xf32, #tpu.memory_space<hbm>> -> memref<64x128xf32, #tpu.memory_space<hbm>>
    %dma_wait3A_521 = arith.constant 0 : i32
    %dma_wait3A_522 = tpu.memref_slice %arg8[%mul3A_0, %dma_wait3A_521] : memref<1024x128xf32, #tpu.memory_space<vmem_shared>> -> memref<64x128xf32, #tpu.memory_space<vmem_shared>>
    tpu.wait_dma2 semaphore(%arg19 : memref<!tpu.dma_semaphore, #tpu.memory_space<semaphore_mem>>) src(%dma_wait3A_522 : memref<64x128xf32, #tpu.memory_space<vmem_shared>>) dst(%dma_wait3A_520 : memref<64x128xf32, #tpu.memory_space<hbm>>)
    "tpu.trace_stop"() : () -> ()
    return
  }
}

module attributes {stable_mosaic.version = 14 : i64} {
  func.func @body(%arg0: i32, %arg1: memref<2048x128xf32, #tpu.memory_space<vmem>>, %arg2: memref<1x128xf32, #tpu.memory_space<vmem>>) attributes {dimension_semantics = [#tpu.dimension_semantics<arbitrary>], iteration_bounds = array<i64: 8>, scalar_prefetch = 0 : i64, scratch_operands = 0 : i64, tpu.core_type = #tpu.core_type<tc>, window_params = [{transform_indices = @transform_0, window_bounds = array<i64: 2048, 128>}, {pipeline_mode = #tpu.pipeline_mode<synchronous>, transform_indices = @transform_1, window_bounds = array<i64: 1, 128>}]} {
    %eq3A = arith.constant 0 : i32
    %eq3A_0 = arith.cmpi eq, %arg0, %eq3A : i32
    %convert_element_type3A = arith.extui %eq3A_0 : i1 to i32
    %cond3A = arith.constant 0 : i32
    %cond3A_1 = arith.cmpi ne, %convert_element_type3A, %cond3A : i32
    scf.if %cond3A_1 {
      %broadcast_in_dim3A_10 = arith.constant 0.000000e+00 : f32
      %broadcast_in_dim3A_11 = vector.broadcast %broadcast_in_dim3A_10 : f32 to vector<1x128xf32>
      %swap3A_12 = arith.constant 0 : index
      %swap3A_13 = arith.constant 0 : index
      %swap3A_14 = vector.load %arg2[%swap3A_12, %swap3A_13] : memref<1x128xf32, #tpu.memory_space<vmem>>, vector<1x128xf32>
      tpu.vector_store %arg2[%swap3A_12, %swap3A_13], %broadcast_in_dim3A_11 {strides = array<i32>} : memref<1x128xf32, #tpu.memory_space<vmem>>, vector<1x128xf32>,
    } else {
    }
    %get3A = arith.constant 0 : index
    %get3A_2 = arith.constant 0 : index
    %get3A_3 = vector.load %arg1[%get3A, %get3A_2] : memref<2048x128xf32, #tpu.memory_space<vmem>>, vector<2048x128xf32>
    %get3A_4 = arith.constant 0 : index
    %get3A_5 = arith.constant 0 : index
    %get3A_6 = vector.load %arg2[%get3A_4, %get3A_5] : memref<1x128xf32, #tpu.memory_space<vmem>>, vector<1x128xf32>
    %mul3A = arith.mulf %get3A_3, %get3A_3 : vector<2048x128xf32>
    %reduce_sum3A = arith.constant dense<0.000000e+00> : vector<128xf32>
    %reduce_sum3A_7 = vector.multi_reduction <add>, %mul3A, %reduce_sum3A [0] : vector<2048x128xf32> to vector<128xf32>
    %broadcast_in_dim3A = vector.shape_cast %reduce_sum3A_7 : vector<128xf32> to vector<1x128xf32>
    %add3A = arith.addf %get3A_6, %broadcast_in_dim3A : vector<1x128xf32>
    %swap3A = arith.constant 0 : index
    %swap3A_8 = arith.constant 0 : index
    %swap3A_9 = vector.load %arg2[%swap3A, %swap3A_8] : memref<1x128xf32, #tpu.memory_space<vmem>>, vector<1x128xf32>
    tpu.vector_store %arg2[%swap3A, %swap3A_8], %add3A {strides = array<i32>} : memref<1x128xf32, #tpu.memory_space<vmem>>, vector<1x128xf32>,
    return
  }
  func.func @transform_0(%arg0: i32) -> (i32, i32) {
    %c0_i32 = arith.constant 0 : i32
    %c0_i32_0 = arith.constant 0 : i32
    return %arg0, %c0_i32 : i32, i32
  }
  func.func @transform_1(%arg0: i32) -> (i32, i32) {
    %c0_i32 = arith.constant 0 : i32
    %c0_i32_0 = arith.constant 0 : i32
    %c0_i32_1 = arith.constant 0 : i32
    return %c0_i32, %c0_i32_0 : i32, i32
  }
}

module attributes {stable_mosaic.version = 14 : i64} {
  func.func @body(%arg0: memref<2x8x128x128xf32, #tpu.memory_space<vmem>>, %arg1: memref<2x8x128xf32, #tpu.memory_space<vmem>>, %arg2: memref<1x128xf32, #tpu.memory_space<vmem>>, %arg3: memref<1x1xf32, #tpu.memory_space<vmem>>) attributes {dimension_semantics = [], scalar_prefetch = 0 : i64, scratch_operands = 0 : i64, tpu.core_type = #tpu.core_type<tc>} {
    %get3A = arith.constant 0 : index
    %get3A_0 = arith.constant 0 : index
    %get3A_1 = arith.constant 0 : index
    %get3A_2 = vector.load %arg1[%get3A, %get3A_0, %get3A_1] : memref<2x8x128xf32, #tpu.memory_space<vmem>>, vector<1x8x128xf32>
    %get3A_3 = vector.shape_cast %get3A_2 : vector<1x8x128xf32> to vector<8x128xf32>
    %get3A_4 = arith.constant 1 : index
    %get3A_5 = arith.constant 0 : index
    %get3A_6 = arith.constant 0 : index
    %get3A_7 = vector.load %arg1[%get3A_4, %get3A_5, %get3A_6] : memref<2x8x128xf32, #tpu.memory_space<vmem>>, vector<1x8x128xf32>
    %get3A_8 = vector.shape_cast %get3A_7 : vector<1x8x128xf32> to vector<8x128xf32>
    %add3A = arith.addf %get3A_3, %get3A_8 : vector<8x128xf32>
    %transpose3A = tpu.transpose %add3A, [1, 0] : vector<8x128xf32> -> vector<128x8xf32>
    %iota3A = tpu.iota {dimensions = array<i32: 0>} : vector<128x1xi32>
    %get3A_9 = arith.constant 0 : index
    %get3A_10 = arith.constant 0 : index
    %get3A_11 = arith.constant 0 : index
    %get3A_12 = arith.constant 0 : index
    %get3A_13 = vector.load %arg0[%get3A_9, %get3A_10, %get3A_11, %get3A_12] : memref<2x8x128x128xf32, #tpu.memory_space<vmem>>, vector<1x1x128x128xf32>
    %get3A_14 = vector.shape_cast %get3A_13 : vector<1x1x128x128xf32> to vector<128x128xf32>
    %get3A_15 = arith.constant 1 : index
    %get3A_16 = arith.constant 0 : index
    %get3A_17 = arith.constant 0 : index
    %get3A_18 = arith.constant 0 : index
    %get3A_19 = vector.load %arg0[%get3A_15, %get3A_16, %get3A_17, %get3A_18] : memref<2x8x128x128xf32, #tpu.memory_space<vmem>>, vector<1x1x128x128xf32>
    %get3A_20 = vector.shape_cast %get3A_19 : vector<1x1x128x128xf32> to vector<128x128xf32>
    %add3A_21 = arith.addf %get3A_14, %get3A_20 : vector<128x128xf32>
    %mul3A = arith.mulf %add3A_21, %add3A_21 : vector<128x128xf32>
    %reduce_sum3A = arith.constant dense<0.000000e+00> : vector<128xf32>
    %reduce_sum3A_22 = vector.multi_reduction <add>, %mul3A, %reduce_sum3A [1] : vector<128x128xf32> to vector<128xf32>
    %broadcast_in_dim3A = vector.shape_cast %reduce_sum3A_22 : vector<128xf32> to vector<128x1xf32>
    %slice3A = vector.extract_strided_slice %transpose3A {offsets = [0, 0], sizes = [128, 1], strides = [1, 1]} : vector<128x8xf32> to vector<128x1xf32>
    %gt3A = arith.constant 0.000000e+00 : f32
    %gt3A_23 = vector.broadcast %gt3A : f32 to vector<128x1xf32>
    %gt3A_24 = arith.cmpf ogt, %slice3A, %gt3A_23 : vector<128x1xf32>
    %add3A_25 = arith.constant 0 : i32
    %add3A_26 = vector.broadcast %add3A_25 : i32 to vector<128x1xi32>
    %add3A_27 = arith.addi %add3A_26, %iota3A : vector<128x1xi32>
    %lt3A = arith.constant 1000 : i32
    %lt3A_28 = vector.broadcast %lt3A : i32 to vector<128x1xi32>
    %lt3A_29 = arith.cmpi slt, %add3A_27, %lt3A_28 : vector<128x1xi32>
    %and3A = arith.andi %gt3A_24, %lt3A_29 : vector<128x1xi1>
    %jit3A = arith.constant 1.000000e+00 : f32
    %broadcast_in_dim3A_30 = vector.broadcast %jit3A : f32 to vector<128x1xf32>
    %select_n3A = arith.select %and3A, %slice3A, %broadcast_in_dim3A_30 : vector<128x1xi1>, vector<128x1xf32>
    %div3A = arith.divf %broadcast_in_dim3A, %select_n3A : vector<128x1xf32>
    %jit3A_31 = arith.constant 0.000000e+00 : f32
    %broadcast_in_dim3A_32 = vector.broadcast %jit3A_31 : f32 to vector<128x1xf32>
    %select_n3A_33 = arith.select %and3A, %div3A, %broadcast_in_dim3A_32 : vector<128x1xi1>, vector<128x1xf32>
    %reduce_sum3A_34 = vector.shape_cast %select_n3A_33 : vector<128x1xf32> to vector<1x128x1xf32>
    %reduce_sum3A_35 = arith.constant dense<0.000000e+00> : vector<1xf32>
    %reduce_sum3A_36 = vector.multi_reduction <add>, %reduce_sum3A_34, %reduce_sum3A_35 [1, 2] : vector<1x128x1xf32> to vector<1xf32>
    %reduce_sum3A_37 = vector.shape_cast %reduce_sum3A_36 : vector<1xf32> to vector<1x1x1xf32>
    %reduce_sum3A_38 = vector.extract %reduce_sum3A_37[0, 0, 0] : f32 from vector<1x1x1xf32>
    %add3A_39 = arith.constant 0.000000e+00 : f32
    %add3A_40 = arith.addf %add3A_39, %reduce_sum3A_38 : f32
    %jit3A_41 = arith.constant 1.000000e+00 : f32
    %jit3A_42 = arith.constant 0.000000e+00 : f32
    %broadcast_in_dim3A_43 = vector.broadcast %jit3A_41 : f32 to vector<128x1xf32>
    %broadcast_in_dim3A_44 = vector.broadcast %jit3A_42 : f32 to vector<128x1xf32>
    %select_n3A_45 = arith.select %and3A, %broadcast_in_dim3A_43, %broadcast_in_dim3A_44 : vector<128x1xi1>, vector<128x1xf32>
    %reduce_sum3A_46 = vector.shape_cast %select_n3A_45 : vector<128x1xf32> to vector<1x128x1xf32>
    %reduce_sum3A_47 = arith.constant dense<0.000000e+00> : vector<1xf32>
    %reduce_sum3A_48 = vector.multi_reduction <add>, %reduce_sum3A_46, %reduce_sum3A_47 [1, 2] : vector<1x128x1xf32> to vector<1xf32>
    %reduce_sum3A_49 = vector.shape_cast %reduce_sum3A_48 : vector<1xf32> to vector<1x1x1xf32>
    %reduce_sum3A_50 = vector.extract %reduce_sum3A_49[0, 0, 0] : f32 from vector<1x1x1xf32>
    %add3A_51 = arith.constant 0.000000e+00 : f32
    %add3A_52 = arith.addf %add3A_51, %reduce_sum3A_50 : f32
    %get3A_53 = arith.constant 0 : index
    %get3A_54 = arith.constant 1 : index
    %get3A_55 = arith.constant 0 : index
    %get3A_56 = arith.constant 0 : index
    %get3A_57 = vector.load %arg0[%get3A_53, %get3A_54, %get3A_55, %get3A_56] : memref<2x8x128x128xf32, #tpu.memory_space<vmem>>, vector<1x1x128x128xf32>
    %get3A_58 = vector.shape_cast %get3A_57 : vector<1x1x128x128xf32> to vector<128x128xf32>
    %get3A_59 = arith.constant 1 : index
    %get3A_60 = arith.constant 1 : index
    %get3A_61 = arith.constant 0 : index
    %get3A_62 = arith.constant 0 : index
    %get3A_63 = vector.load %arg0[%get3A_59, %get3A_60, %get3A_61, %get3A_62] : memref<2x8x128x128xf32, #tpu.memory_space<vmem>>, vector<1x1x128x128xf32>
    %get3A_64 = vector.shape_cast %get3A_63 : vector<1x1x128x128xf32> to vector<128x128xf32>
    %add3A_65 = arith.addf %get3A_58, %get3A_64 : vector<128x128xf32>
    %mul3A_66 = arith.mulf %add3A_65, %add3A_65 : vector<128x128xf32>
    %reduce_sum3A_67 = arith.constant dense<0.000000e+00> : vector<128xf32>
    %reduce_sum3A_68 = vector.multi_reduction <add>, %mul3A_66, %reduce_sum3A_67 [1] : vector<128x128xf32> to vector<128xf32>
    %broadcast_in_dim3A_69 = vector.shape_cast %reduce_sum3A_68 : vector<128xf32> to vector<128x1xf32>
    %slice3A_70 = vector.extract_strided_slice %transpose3A {offsets = [0, 1], sizes = [128, 1], strides = [1, 1]} : vector<128x8xf32> to vector<128x1xf32>
    %gt3A_71 = arith.constant 0.000000e+00 : f32
    %gt3A_72 = vector.broadcast %gt3A_71 : f32 to vector<128x1xf32>
    %gt3A_73 = arith.cmpf ogt, %slice3A_70, %gt3A_72 : vector<128x1xf32>
    %add3A_74 = arith.constant 128 : i32
    %add3A_75 = vector.broadcast %add3A_74 : i32 to vector<128x1xi32>
    %add3A_76 = arith.addi %add3A_75, %iota3A : vector<128x1xi32>
    %lt3A_77 = arith.constant 1000 : i32
    %lt3A_78 = vector.broadcast %lt3A_77 : i32 to vector<128x1xi32>
    %lt3A_79 = arith.cmpi slt, %add3A_76, %lt3A_78 : vector<128x1xi32>
    %and3A_80 = arith.andi %gt3A_73, %lt3A_79 : vector<128x1xi1>
    %jit3A_81 = arith.constant 1.000000e+00 : f32
    %broadcast_in_dim3A_82 = vector.broadcast %jit3A_81 : f32 to vector<128x1xf32>
    %select_n3A_83 = arith.select %and3A_80, %slice3A_70, %broadcast_in_dim3A_82 : vector<128x1xi1>, vector<128x1xf32>
    %div3A_84 = arith.divf %broadcast_in_dim3A_69, %select_n3A_83 : vector<128x1xf32>
    %jit3A_85 = arith.constant 0.000000e+00 : f32
    %broadcast_in_dim3A_86 = vector.broadcast %jit3A_85 : f32 to vector<128x1xf32>
    %select_n3A_87 = arith.select %and3A_80, %div3A_84, %broadcast_in_dim3A_86 : vector<128x1xi1>, vector<128x1xf32>
    %reduce_sum3A_88 = vector.shape_cast %select_n3A_87 : vector<128x1xf32> to vector<1x128x1xf32>
    %reduce_sum3A_89 = arith.constant dense<0.000000e+00> : vector<1xf32>
    %reduce_sum3A_90 = vector.multi_reduction <add>, %reduce_sum3A_88, %reduce_sum3A_89 [1, 2] : vector<1x128x1xf32> to vector<1xf32>
    %reduce_sum3A_91 = vector.shape_cast %reduce_sum3A_90 : vector<1xf32> to vector<1x1x1xf32>
    %reduce_sum3A_92 = vector.extract %reduce_sum3A_91[0, 0, 0] : f32 from vector<1x1x1xf32>
    %add3A_93 = arith.addf %add3A_40, %reduce_sum3A_92 : f32
    %jit3A_94 = arith.constant 1.000000e+00 : f32
    %jit3A_95 = arith.constant 0.000000e+00 : f32
    %broadcast_in_dim3A_96 = vector.broadcast %jit3A_94 : f32 to vector<128x1xf32>
    %broadcast_in_dim3A_97 = vector.broadcast %jit3A_95 : f32 to vector<128x1xf32>
    %select_n3A_98 = arith.select %and3A_80, %broadcast_in_dim3A_96, %broadcast_in_dim3A_97 : vector<128x1xi1>, vector<128x1xf32>
    %reduce_sum3A_99 = vector.shape_cast %select_n3A_98 : vector<128x1xf32> to vector<1x128x1xf32>
    %reduce_sum3A_100 = arith.constant dense<0.000000e+00> : vector<1xf32>
    %reduce_sum3A_101 = vector.multi_reduction <add>, %reduce_sum3A_99, %reduce_sum3A_100 [1, 2] : vector<1x128x1xf32> to vector<1xf32>
    %reduce_sum3A_102 = vector.shape_cast %reduce_sum3A_101 : vector<1xf32> to vector<1x1x1xf32>
    %reduce_sum3A_103 = vector.extract %reduce_sum3A_102[0, 0, 0] : f32 from vector<1x1x1xf32>
    %add3A_104 = arith.addf %add3A_52, %reduce_sum3A_103 : f32
    %get3A_105 = arith.constant 0 : index
    %get3A_106 = arith.constant 2 : index
    %get3A_107 = arith.constant 0 : index
    %get3A_108 = arith.constant 0 : index
    %get3A_109 = vector.load %arg0[%get3A_105, %get3A_106, %get3A_107, %get3A_108] : memref<2x8x128x128xf32, #tpu.memory_space<vmem>>, vector<1x1x128x128xf32>
    %get3A_110 = vector.shape_cast %get3A_109 : vector<1x1x128x128xf32> to vector<128x128xf32>
    %get3A_111 = arith.constant 1 : index
    %get3A_112 = arith.constant 2 : index
    %get3A_113 = arith.constant 0 : index
    %get3A_114 = arith.constant 0 : index
    %get3A_115 = vector.load %arg0[%get3A_111, %get3A_112, %get3A_113, %get3A_114] : memref<2x8x128x128xf32, #tpu.memory_space<vmem>>, vector<1x1x128x128xf32>
    %get3A_116 = vector.shape_cast %get3A_115 : vector<1x1x128x128xf32> to vector<128x128xf32>
    %add3A_117 = arith.addf %get3A_110, %get3A_116 : vector<128x128xf32>
    %mul3A_118 = arith.mulf %add3A_117, %add3A_117 : vector<128x128xf32>
    %reduce_sum3A_119 = arith.constant dense<0.000000e+00> : vector<128xf32>
    %reduce_sum3A_120 = vector.multi_reduction <add>, %mul3A_118, %reduce_sum3A_119 [1] : vector<128x128xf32> to vector<128xf32>
    %broadcast_in_dim3A_121 = vector.shape_cast %reduce_sum3A_120 : vector<128xf32> to vector<128x1xf32>
    %slice3A_122 = vector.extract_strided_slice %transpose3A {offsets = [0, 2], sizes = [128, 1], strides = [1, 1]} : vector<128x8xf32> to vector<128x1xf32>
    %gt3A_123 = arith.constant 0.000000e+00 : f32
    %gt3A_124 = vector.broadcast %gt3A_123 : f32 to vector<128x1xf32>
    %gt3A_125 = arith.cmpf ogt, %slice3A_122, %gt3A_124 : vector<128x1xf32>
    %add3A_126 = arith.constant 256 : i32
    %add3A_127 = vector.broadcast %add3A_126 : i32 to vector<128x1xi32>
    %add3A_128 = arith.addi %add3A_127, %iota3A : vector<128x1xi32>
    %lt3A_129 = arith.constant 1000 : i32
    %lt3A_130 = vector.broadcast %lt3A_129 : i32 to vector<128x1xi32>
    %lt3A_131 = arith.cmpi slt, %add3A_128, %lt3A_130 : vector<128x1xi32>
    %and3A_132 = arith.andi %gt3A_125, %lt3A_131 : vector<128x1xi1>
    %jit3A_133 = arith.constant 1.000000e+00 : f32
    %broadcast_in_dim3A_134 = vector.broadcast %jit3A_133 : f32 to vector<128x1xf32>
    %select_n3A_135 = arith.select %and3A_132, %slice3A_122, %broadcast_in_dim3A_134 : vector<128x1xi1>, vector<128x1xf32>
    %div3A_136 = arith.divf %broadcast_in_dim3A_121, %select_n3A_135 : vector<128x1xf32>
    %jit3A_137 = arith.constant 0.000000e+00 : f32
    %broadcast_in_dim3A_138 = vector.broadcast %jit3A_137 : f32 to vector<128x1xf32>
    %select_n3A_139 = arith.select %and3A_132, %div3A_136, %broadcast_in_dim3A_138 : vector<128x1xi1>, vector<128x1xf32>
    %reduce_sum3A_140 = vector.shape_cast %select_n3A_139 : vector<128x1xf32> to vector<1x128x1xf32>
    %reduce_sum3A_141 = arith.constant dense<0.000000e+00> : vector<1xf32>
    %reduce_sum3A_142 = vector.multi_reduction <add>, %reduce_sum3A_140, %reduce_sum3A_141 [1, 2] : vector<1x128x1xf32> to vector<1xf32>
    %reduce_sum3A_143 = vector.shape_cast %reduce_sum3A_142 : vector<1xf32> to vector<1x1x1xf32>
    %reduce_sum3A_144 = vector.extract %reduce_sum3A_143[0, 0, 0] : f32 from vector<1x1x1xf32>
    %add3A_145 = arith.addf %add3A_93, %reduce_sum3A_144 : f32
    %jit3A_146 = arith.constant 1.000000e+00 : f32
    %jit3A_147 = arith.constant 0.000000e+00 : f32
    %broadcast_in_dim3A_148 = vector.broadcast %jit3A_146 : f32 to vector<128x1xf32>
    %broadcast_in_dim3A_149 = vector.broadcast %jit3A_147 : f32 to vector<128x1xf32>
    %select_n3A_150 = arith.select %and3A_132, %broadcast_in_dim3A_148, %broadcast_in_dim3A_149 : vector<128x1xi1>, vector<128x1xf32>
    %reduce_sum3A_151 = vector.shape_cast %select_n3A_150 : vector<128x1xf32> to vector<1x128x1xf32>
    %reduce_sum3A_152 = arith.constant dense<0.000000e+00> : vector<1xf32>
    %reduce_sum3A_153 = vector.multi_reduction <add>, %reduce_sum3A_151, %reduce_sum3A_152 [1, 2] : vector<1x128x1xf32> to vector<1xf32>
    %reduce_sum3A_154 = vector.shape_cast %reduce_sum3A_153 : vector<1xf32> to vector<1x1x1xf32>
    %reduce_sum3A_155 = vector.extract %reduce_sum3A_154[0, 0, 0] : f32 from vector<1x1x1xf32>
    %add3A_156 = arith.addf %add3A_104, %reduce_sum3A_155 : f32
    %get3A_157 = arith.constant 0 : index
    %get3A_158 = arith.constant 3 : index
    %get3A_159 = arith.constant 0 : index
    %get3A_160 = arith.constant 0 : index
    %get3A_161 = vector.load %arg0[%get3A_157, %get3A_158, %get3A_159, %get3A_160] : memref<2x8x128x128xf32, #tpu.memory_space<vmem>>, vector<1x1x128x128xf32>
    %get3A_162 = vector.shape_cast %get3A_161 : vector<1x1x128x128xf32> to vector<128x128xf32>
    %get3A_163 = arith.constant 1 : index
    %get3A_164 = arith.constant 3 : index
    %get3A_165 = arith.constant 0 : index
    %get3A_166 = arith.constant 0 : index
    %get3A_167 = vector.load %arg0[%get3A_163, %get3A_164, %get3A_165, %get3A_166] : memref<2x8x128x128xf32, #tpu.memory_space<vmem>>, vector<1x1x128x128xf32>
    %get3A_168 = vector.shape_cast %get3A_167 : vector<1x1x128x128xf32> to vector<128x128xf32>
    %add3A_169 = arith.addf %get3A_162, %get3A_168 : vector<128x128xf32>
    %mul3A_170 = arith.mulf %add3A_169, %add3A_169 : vector<128x128xf32>
    %reduce_sum3A_171 = arith.constant dense<0.000000e+00> : vector<128xf32>
    %reduce_sum3A_172 = vector.multi_reduction <add>, %mul3A_170, %reduce_sum3A_171 [1] : vector<128x128xf32> to vector<128xf32>
    %broadcast_in_dim3A_173 = vector.shape_cast %reduce_sum3A_172 : vector<128xf32> to vector<128x1xf32>
    %slice3A_174 = vector.extract_strided_slice %transpose3A {offsets = [0, 3], sizes = [128, 1], strides = [1, 1]} : vector<128x8xf32> to vector<128x1xf32>
    %gt3A_175 = arith.constant 0.000000e+00 : f32
    %gt3A_176 = vector.broadcast %gt3A_175 : f32 to vector<128x1xf32>
    %gt3A_177 = arith.cmpf ogt, %slice3A_174, %gt3A_176 : vector<128x1xf32>
    %add3A_178 = arith.constant 384 : i32
    %add3A_179 = vector.broadcast %add3A_178 : i32 to vector<128x1xi32>
    %add3A_180 = arith.addi %add3A_179, %iota3A : vector<128x1xi32>
    %lt3A_181 = arith.constant 1000 : i32
    %lt3A_182 = vector.broadcast %lt3A_181 : i32 to vector<128x1xi32>
    %lt3A_183 = arith.cmpi slt, %add3A_180, %lt3A_182 : vector<128x1xi32>
    %and3A_184 = arith.andi %gt3A_177, %lt3A_183 : vector<128x1xi1>
    %jit3A_185 = arith.constant 1.000000e+00 : f32
    %broadcast_in_dim3A_186 = vector.broadcast %jit3A_185 : f32 to vector<128x1xf32>
    %select_n3A_187 = arith.select %and3A_184, %slice3A_174, %broadcast_in_dim3A_186 : vector<128x1xi1>, vector<128x1xf32>
    %div3A_188 = arith.divf %broadcast_in_dim3A_173, %select_n3A_187 : vector<128x1xf32>
    %jit3A_189 = arith.constant 0.000000e+00 : f32
    %broadcast_in_dim3A_190 = vector.broadcast %jit3A_189 : f32 to vector<128x1xf32>
    %select_n3A_191 = arith.select %and3A_184, %div3A_188, %broadcast_in_dim3A_190 : vector<128x1xi1>, vector<128x1xf32>
    %reduce_sum3A_192 = vector.shape_cast %select_n3A_191 : vector<128x1xf32> to vector<1x128x1xf32>
    %reduce_sum3A_193 = arith.constant dense<0.000000e+00> : vector<1xf32>
    %reduce_sum3A_194 = vector.multi_reduction <add>, %reduce_sum3A_192, %reduce_sum3A_193 [1, 2] : vector<1x128x1xf32> to vector<1xf32>
    %reduce_sum3A_195 = vector.shape_cast %reduce_sum3A_194 : vector<1xf32> to vector<1x1x1xf32>
    %reduce_sum3A_196 = vector.extract %reduce_sum3A_195[0, 0, 0] : f32 from vector<1x1x1xf32>
    %add3A_197 = arith.addf %add3A_145, %reduce_sum3A_196 : f32
    %jit3A_198 = arith.constant 1.000000e+00 : f32
    %jit3A_199 = arith.constant 0.000000e+00 : f32
    %broadcast_in_dim3A_200 = vector.broadcast %jit3A_198 : f32 to vector<128x1xf32>
    %broadcast_in_dim3A_201 = vector.broadcast %jit3A_199 : f32 to vector<128x1xf32>
    %select_n3A_202 = arith.select %and3A_184, %broadcast_in_dim3A_200, %broadcast_in_dim3A_201 : vector<128x1xi1>, vector<128x1xf32>
    %reduce_sum3A_203 = vector.shape_cast %select_n3A_202 : vector<128x1xf32> to vector<1x128x1xf32>
    %reduce_sum3A_204 = arith.constant dense<0.000000e+00> : vector<1xf32>
    %reduce_sum3A_205 = vector.multi_reduction <add>, %reduce_sum3A_203, %reduce_sum3A_204 [1, 2] : vector<1x128x1xf32> to vector<1xf32>
    %reduce_sum3A_206 = vector.shape_cast %reduce_sum3A_205 : vector<1xf32> to vector<1x1x1xf32>
    %reduce_sum3A_207 = vector.extract %reduce_sum3A_206[0, 0, 0] : f32 from vector<1x1x1xf32>
    %add3A_208 = arith.addf %add3A_156, %reduce_sum3A_207 : f32
    %get3A_209 = arith.constant 0 : index
    %get3A_210 = arith.constant 4 : index
    %get3A_211 = arith.constant 0 : index
    %get3A_212 = arith.constant 0 : index
    %get3A_213 = vector.load %arg0[%get3A_209, %get3A_210, %get3A_211, %get3A_212] : memref<2x8x128x128xf32, #tpu.memory_space<vmem>>, vector<1x1x128x128xf32>
    %get3A_214 = vector.shape_cast %get3A_213 : vector<1x1x128x128xf32> to vector<128x128xf32>
    %get3A_215 = arith.constant 1 : index
    %get3A_216 = arith.constant 4 : index
    %get3A_217 = arith.constant 0 : index
    %get3A_218 = arith.constant 0 : index
    %get3A_219 = vector.load %arg0[%get3A_215, %get3A_216, %get3A_217, %get3A_218] : memref<2x8x128x128xf32, #tpu.memory_space<vmem>>, vector<1x1x128x128xf32>
    %get3A_220 = vector.shape_cast %get3A_219 : vector<1x1x128x128xf32> to vector<128x128xf32>
    %add3A_221 = arith.addf %get3A_214, %get3A_220 : vector<128x128xf32>
    %mul3A_222 = arith.mulf %add3A_221, %add3A_221 : vector<128x128xf32>
    %reduce_sum3A_223 = arith.constant dense<0.000000e+00> : vector<128xf32>
    %reduce_sum3A_224 = vector.multi_reduction <add>, %mul3A_222, %reduce_sum3A_223 [1] : vector<128x128xf32> to vector<128xf32>
    %broadcast_in_dim3A_225 = vector.shape_cast %reduce_sum3A_224 : vector<128xf32> to vector<128x1xf32>
    %slice3A_226 = vector.extract_strided_slice %transpose3A {offsets = [0, 4], sizes = [128, 1], strides = [1, 1]} : vector<128x8xf32> to vector<128x1xf32>
    %gt3A_227 = arith.constant 0.000000e+00 : f32
    %gt3A_228 = vector.broadcast %gt3A_227 : f32 to vector<128x1xf32>
    %gt3A_229 = arith.cmpf ogt, %slice3A_226, %gt3A_228 : vector<128x1xf32>
    %add3A_230 = arith.constant 512 : i32
    %add3A_231 = vector.broadcast %add3A_230 : i32 to vector<128x1xi32>
    %add3A_232 = arith.addi %add3A_231, %iota3A : vector<128x1xi32>
    %lt3A_233 = arith.constant 1000 : i32
    %lt3A_234 = vector.broadcast %lt3A_233 : i32 to vector<128x1xi32>
    %lt3A_235 = arith.cmpi slt, %add3A_232, %lt3A_234 : vector<128x1xi32>
    %and3A_236 = arith.andi %gt3A_229, %lt3A_235 : vector<128x1xi1>
    %jit3A_237 = arith.constant 1.000000e+00 : f32
    %broadcast_in_dim3A_238 = vector.broadcast %jit3A_237 : f32 to vector<128x1xf32>
    %select_n3A_239 = arith.select %and3A_236, %slice3A_226, %broadcast_in_dim3A_238 : vector<128x1xi1>, vector<128x1xf32>
    %div3A_240 = arith.divf %broadcast_in_dim3A_225, %select_n3A_239 : vector<128x1xf32>
    %jit3A_241 = arith.constant 0.000000e+00 : f32
    %broadcast_in_dim3A_242 = vector.broadcast %jit3A_241 : f32 to vector<128x1xf32>
    %select_n3A_243 = arith.select %and3A_236, %div3A_240, %broadcast_in_dim3A_242 : vector<128x1xi1>, vector<128x1xf32>
    %reduce_sum3A_244 = vector.shape_cast %select_n3A_243 : vector<128x1xf32> to vector<1x128x1xf32>
    %reduce_sum3A_245 = arith.constant dense<0.000000e+00> : vector<1xf32>
    %reduce_sum3A_246 = vector.multi_reduction <add>, %reduce_sum3A_244, %reduce_sum3A_245 [1, 2] : vector<1x128x1xf32> to vector<1xf32>
    %reduce_sum3A_247 = vector.shape_cast %reduce_sum3A_246 : vector<1xf32> to vector<1x1x1xf32>
    %reduce_sum3A_248 = vector.extract %reduce_sum3A_247[0, 0, 0] : f32 from vector<1x1x1xf32>
    %add3A_249 = arith.addf %add3A_197, %reduce_sum3A_248 : f32
    %jit3A_250 = arith.constant 1.000000e+00 : f32
    %jit3A_251 = arith.constant 0.000000e+00 : f32
    %broadcast_in_dim3A_252 = vector.broadcast %jit3A_250 : f32 to vector<128x1xf32>
    %broadcast_in_dim3A_253 = vector.broadcast %jit3A_251 : f32 to vector<128x1xf32>
    %select_n3A_254 = arith.select %and3A_236, %broadcast_in_dim3A_252, %broadcast_in_dim3A_253 : vector<128x1xi1>, vector<128x1xf32>
    %reduce_sum3A_255 = vector.shape_cast %select_n3A_254 : vector<128x1xf32> to vector<1x128x1xf32>
    %reduce_sum3A_256 = arith.constant dense<0.000000e+00> : vector<1xf32>
    %reduce_sum3A_257 = vector.multi_reduction <add>, %reduce_sum3A_255, %reduce_sum3A_256 [1, 2] : vector<1x128x1xf32> to vector<1xf32>
    %reduce_sum3A_258 = vector.shape_cast %reduce_sum3A_257 : vector<1xf32> to vector<1x1x1xf32>
    %reduce_sum3A_259 = vector.extract %reduce_sum3A_258[0, 0, 0] : f32 from vector<1x1x1xf32>
    %add3A_260 = arith.addf %add3A_208, %reduce_sum3A_259 : f32
    %get3A_261 = arith.constant 0 : index
    %get3A_262 = arith.constant 5 : index
    %get3A_263 = arith.constant 0 : index
    %get3A_264 = arith.constant 0 : index
    %get3A_265 = vector.load %arg0[%get3A_261, %get3A_262, %get3A_263, %get3A_264] : memref<2x8x128x128xf32, #tpu.memory_space<vmem>>, vector<1x1x128x128xf32>
    %get3A_266 = vector.shape_cast %get3A_265 : vector<1x1x128x128xf32> to vector<128x128xf32>
    %get3A_267 = arith.constant 1 : index
    %get3A_268 = arith.constant 5 : index
    %get3A_269 = arith.constant 0 : index
    %get3A_270 = arith.constant 0 : index
    %get3A_271 = vector.load %arg0[%get3A_267, %get3A_268, %get3A_269, %get3A_270] : memref<2x8x128x128xf32, #tpu.memory_space<vmem>>, vector<1x1x128x128xf32>
    %get3A_272 = vector.shape_cast %get3A_271 : vector<1x1x128x128xf32> to vector<128x128xf32>
    %add3A_273 = arith.addf %get3A_266, %get3A_272 : vector<128x128xf32>
    %mul3A_274 = arith.mulf %add3A_273, %add3A_273 : vector<128x128xf32>
    %reduce_sum3A_275 = arith.constant dense<0.000000e+00> : vector<128xf32>
    %reduce_sum3A_276 = vector.multi_reduction <add>, %mul3A_274, %reduce_sum3A_275 [1] : vector<128x128xf32> to vector<128xf32>
    %broadcast_in_dim3A_277 = vector.shape_cast %reduce_sum3A_276 : vector<128xf32> to vector<128x1xf32>
    %slice3A_278 = vector.extract_strided_slice %transpose3A {offsets = [0, 5], sizes = [128, 1], strides = [1, 1]} : vector<128x8xf32> to vector<128x1xf32>
    %gt3A_279 = arith.constant 0.000000e+00 : f32
    %gt3A_280 = vector.broadcast %gt3A_279 : f32 to vector<128x1xf32>
    %gt3A_281 = arith.cmpf ogt, %slice3A_278, %gt3A_280 : vector<128x1xf32>
    %add3A_282 = arith.constant 640 : i32
    %add3A_283 = vector.broadcast %add3A_282 : i32 to vector<128x1xi32>
    %add3A_284 = arith.addi %add3A_283, %iota3A : vector<128x1xi32>
    %lt3A_285 = arith.constant 1000 : i32
    %lt3A_286 = vector.broadcast %lt3A_285 : i32 to vector<128x1xi32>
    %lt3A_287 = arith.cmpi slt, %add3A_284, %lt3A_286 : vector<128x1xi32>
    %and3A_288 = arith.andi %gt3A_281, %lt3A_287 : vector<128x1xi1>
    %jit3A_289 = arith.constant 1.000000e+00 : f32
    %broadcast_in_dim3A_290 = vector.broadcast %jit3A_289 : f32 to vector<128x1xf32>
    %select_n3A_291 = arith.select %and3A_288, %slice3A_278, %broadcast_in_dim3A_290 : vector<128x1xi1>, vector<128x1xf32>
    %div3A_292 = arith.divf %broadcast_in_dim3A_277, %select_n3A_291 : vector<128x1xf32>
    %jit3A_293 = arith.constant 0.000000e+00 : f32
    %broadcast_in_dim3A_294 = vector.broadcast %jit3A_293 : f32 to vector<128x1xf32>
    %select_n3A_295 = arith.select %and3A_288, %div3A_292, %broadcast_in_dim3A_294 : vector<128x1xi1>, vector<128x1xf32>
    %reduce_sum3A_296 = vector.shape_cast %select_n3A_295 : vector<128x1xf32> to vector<1x128x1xf32>
    %reduce_sum3A_297 = arith.constant dense<0.000000e+00> : vector<1xf32>
    %reduce_sum3A_298 = vector.multi_reduction <add>, %reduce_sum3A_296, %reduce_sum3A_297 [1, 2] : vector<1x128x1xf32> to vector<1xf32>
    %reduce_sum3A_299 = vector.shape_cast %reduce_sum3A_298 : vector<1xf32> to vector<1x1x1xf32>
    %reduce_sum3A_300 = vector.extract %reduce_sum3A_299[0, 0, 0] : f32 from vector<1x1x1xf32>
    %add3A_301 = arith.addf %add3A_249, %reduce_sum3A_300 : f32
    %jit3A_302 = arith.constant 1.000000e+00 : f32
    %jit3A_303 = arith.constant 0.000000e+00 : f32
    %broadcast_in_dim3A_304 = vector.broadcast %jit3A_302 : f32 to vector<128x1xf32>
    %broadcast_in_dim3A_305 = vector.broadcast %jit3A_303 : f32 to vector<128x1xf32>
    %select_n3A_306 = arith.select %and3A_288, %broadcast_in_dim3A_304, %broadcast_in_dim3A_305 : vector<128x1xi1>, vector<128x1xf32>
    %reduce_sum3A_307 = vector.shape_cast %select_n3A_306 : vector<128x1xf32> to vector<1x128x1xf32>
    %reduce_sum3A_308 = arith.constant dense<0.000000e+00> : vector<1xf32>
    %reduce_sum3A_309 = vector.multi_reduction <add>, %reduce_sum3A_307, %reduce_sum3A_308 [1, 2] : vector<1x128x1xf32> to vector<1xf32>
    %reduce_sum3A_310 = vector.shape_cast %reduce_sum3A_309 : vector<1xf32> to vector<1x1x1xf32>
    %reduce_sum3A_311 = vector.extract %reduce_sum3A_310[0, 0, 0] : f32 from vector<1x1x1xf32>
    %add3A_312 = arith.addf %add3A_260, %reduce_sum3A_311 : f32
    %get3A_313 = arith.constant 0 : index
    %get3A_314 = arith.constant 6 : index
    %get3A_315 = arith.constant 0 : index
    %get3A_316 = arith.constant 0 : index
    %get3A_317 = vector.load %arg0[%get3A_313, %get3A_314, %get3A_315, %get3A_316] : memref<2x8x128x128xf32, #tpu.memory_space<vmem>>, vector<1x1x128x128xf32>
    %get3A_318 = vector.shape_cast %get3A_317 : vector<1x1x128x128xf32> to vector<128x128xf32>
    %get3A_319 = arith.constant 1 : index
    %get3A_320 = arith.constant 6 : index
    %get3A_321 = arith.constant 0 : index
    %get3A_322 = arith.constant 0 : index
    %get3A_323 = vector.load %arg0[%get3A_319, %get3A_320, %get3A_321, %get3A_322] : memref<2x8x128x128xf32, #tpu.memory_space<vmem>>, vector<1x1x128x128xf32>
    %get3A_324 = vector.shape_cast %get3A_323 : vector<1x1x128x128xf32> to vector<128x128xf32>
    %add3A_325 = arith.addf %get3A_318, %get3A_324 : vector<128x128xf32>
    %mul3A_326 = arith.mulf %add3A_325, %add3A_325 : vector<128x128xf32>
    %reduce_sum3A_327 = arith.constant dense<0.000000e+00> : vector<128xf32>
    %reduce_sum3A_328 = vector.multi_reduction <add>, %mul3A_326, %reduce_sum3A_327 [1] : vector<128x128xf32> to vector<128xf32>
    %broadcast_in_dim3A_329 = vector.shape_cast %reduce_sum3A_328 : vector<128xf32> to vector<128x1xf32>
    %slice3A_330 = vector.extract_strided_slice %transpose3A {offsets = [0, 6], sizes = [128, 1], strides = [1, 1]} : vector<128x8xf32> to vector<128x1xf32>
    %gt3A_331 = arith.constant 0.000000e+00 : f32
    %gt3A_332 = vector.broadcast %gt3A_331 : f32 to vector<128x1xf32>
    %gt3A_333 = arith.cmpf ogt, %slice3A_330, %gt3A_332 : vector<128x1xf32>
    %add3A_334 = arith.constant 768 : i32
    %add3A_335 = vector.broadcast %add3A_334 : i32 to vector<128x1xi32>
    %add3A_336 = arith.addi %add3A_335, %iota3A : vector<128x1xi32>
    %lt3A_337 = arith.constant 1000 : i32
    %lt3A_338 = vector.broadcast %lt3A_337 : i32 to vector<128x1xi32>
    %lt3A_339 = arith.cmpi slt, %add3A_336, %lt3A_338 : vector<128x1xi32>
    %and3A_340 = arith.andi %gt3A_333, %lt3A_339 : vector<128x1xi1>
    %jit3A_341 = arith.constant 1.000000e+00 : f32
    %broadcast_in_dim3A_342 = vector.broadcast %jit3A_341 : f32 to vector<128x1xf32>
    %select_n3A_343 = arith.select %and3A_340, %slice3A_330, %broadcast_in_dim3A_342 : vector<128x1xi1>, vector<128x1xf32>
    %div3A_344 = arith.divf %broadcast_in_dim3A_329, %select_n3A_343 : vector<128x1xf32>
    %jit3A_345 = arith.constant 0.000000e+00 : f32
    %broadcast_in_dim3A_346 = vector.broadcast %jit3A_345 : f32 to vector<128x1xf32>
    %select_n3A_347 = arith.select %and3A_340, %div3A_344, %broadcast_in_dim3A_346 : vector<128x1xi1>, vector<128x1xf32>
    %reduce_sum3A_348 = vector.shape_cast %select_n3A_347 : vector<128x1xf32> to vector<1x128x1xf32>
    %reduce_sum3A_349 = arith.constant dense<0.000000e+00> : vector<1xf32>
    %reduce_sum3A_350 = vector.multi_reduction <add>, %reduce_sum3A_348, %reduce_sum3A_349 [1, 2] : vector<1x128x1xf32> to vector<1xf32>
    %reduce_sum3A_351 = vector.shape_cast %reduce_sum3A_350 : vector<1xf32> to vector<1x1x1xf32>
    %reduce_sum3A_352 = vector.extract %reduce_sum3A_351[0, 0, 0] : f32 from vector<1x1x1xf32>
    %add3A_353 = arith.addf %add3A_301, %reduce_sum3A_352 : f32
    %jit3A_354 = arith.constant 1.000000e+00 : f32
    %jit3A_355 = arith.constant 0.000000e+00 : f32
    %broadcast_in_dim3A_356 = vector.broadcast %jit3A_354 : f32 to vector<128x1xf32>
    %broadcast_in_dim3A_357 = vector.broadcast %jit3A_355 : f32 to vector<128x1xf32>
    %select_n3A_358 = arith.select %and3A_340, %broadcast_in_dim3A_356, %broadcast_in_dim3A_357 : vector<128x1xi1>, vector<128x1xf32>
    %reduce_sum3A_359 = vector.shape_cast %select_n3A_358 : vector<128x1xf32> to vector<1x128x1xf32>
    %reduce_sum3A_360 = arith.constant dense<0.000000e+00> : vector<1xf32>
    %reduce_sum3A_361 = vector.multi_reduction <add>, %reduce_sum3A_359, %reduce_sum3A_360 [1, 2] : vector<1x128x1xf32> to vector<1xf32>
    %reduce_sum3A_362 = vector.shape_cast %reduce_sum3A_361 : vector<1xf32> to vector<1x1x1xf32>
    %reduce_sum3A_363 = vector.extract %reduce_sum3A_362[0, 0, 0] : f32 from vector<1x1x1xf32>
    %add3A_364 = arith.addf %add3A_312, %reduce_sum3A_363 : f32
    %get3A_365 = arith.constant 0 : index
    %get3A_366 = arith.constant 7 : index
    %get3A_367 = arith.constant 0 : index
    %get3A_368 = arith.constant 0 : index
    %get3A_369 = vector.load %arg0[%get3A_365, %get3A_366, %get3A_367, %get3A_368] : memref<2x8x128x128xf32, #tpu.memory_space<vmem>>, vector<1x1x128x128xf32>
    %get3A_370 = vector.shape_cast %get3A_369 : vector<1x1x128x128xf32> to vector<128x128xf32>
    %get3A_371 = arith.constant 1 : index
    %get3A_372 = arith.constant 7 : index
    %get3A_373 = arith.constant 0 : index
    %get3A_374 = arith.constant 0 : index
    %get3A_375 = vector.load %arg0[%get3A_371, %get3A_372, %get3A_373, %get3A_374] : memref<2x8x128x128xf32, #tpu.memory_space<vmem>>, vector<1x1x128x128xf32>
    %get3A_376 = vector.shape_cast %get3A_375 : vector<1x1x128x128xf32> to vector<128x128xf32>
    %add3A_377 = arith.addf %get3A_370, %get3A_376 : vector<128x128xf32>
    %mul3A_378 = arith.mulf %add3A_377, %add3A_377 : vector<128x128xf32>
    %reduce_sum3A_379 = arith.constant dense<0.000000e+00> : vector<128xf32>
    %reduce_sum3A_380 = vector.multi_reduction <add>, %mul3A_378, %reduce_sum3A_379 [1] : vector<128x128xf32> to vector<128xf32>
    %broadcast_in_dim3A_381 = vector.shape_cast %reduce_sum3A_380 : vector<128xf32> to vector<128x1xf32>
    %slice3A_382 = vector.extract_strided_slice %transpose3A {offsets = [0, 7], sizes = [128, 1], strides = [1, 1]} : vector<128x8xf32> to vector<128x1xf32>
    %gt3A_383 = arith.constant 0.000000e+00 : f32
    %gt3A_384 = vector.broadcast %gt3A_383 : f32 to vector<128x1xf32>
    %gt3A_385 = arith.cmpf ogt, %slice3A_382, %gt3A_384 : vector<128x1xf32>
    %add3A_386 = arith.constant 896 : i32
    %add3A_387 = vector.broadcast %add3A_386 : i32 to vector<128x1xi32>
    %add3A_388 = arith.addi %add3A_387, %iota3A : vector<128x1xi32>
    %lt3A_389 = arith.constant 1000 : i32
    %lt3A_390 = vector.broadcast %lt3A_389 : i32 to vector<128x1xi32>
    %lt3A_391 = arith.cmpi slt, %add3A_388, %lt3A_390 : vector<128x1xi32>
    %and3A_392 = arith.andi %gt3A_385, %lt3A_391 : vector<128x1xi1>
    %jit3A_393 = arith.constant 1.000000e+00 : f32
    %broadcast_in_dim3A_394 = vector.broadcast %jit3A_393 : f32 to vector<128x1xf32>
    %select_n3A_395 = arith.select %and3A_392, %slice3A_382, %broadcast_in_dim3A_394 : vector<128x1xi1>, vector<128x1xf32>
    %div3A_396 = arith.divf %broadcast_in_dim3A_381, %select_n3A_395 : vector<128x1xf32>
    %jit3A_397 = arith.constant 0.000000e+00 : f32
    %broadcast_in_dim3A_398 = vector.broadcast %jit3A_397 : f32 to vector<128x1xf32>
    %select_n3A_399 = arith.select %and3A_392, %div3A_396, %broadcast_in_dim3A_398 : vector<128x1xi1>, vector<128x1xf32>
    %reduce_sum3A_400 = vector.shape_cast %select_n3A_399 : vector<128x1xf32> to vector<1x128x1xf32>
    %reduce_sum3A_401 = arith.constant dense<0.000000e+00> : vector<1xf32>
    %reduce_sum3A_402 = vector.multi_reduction <add>, %reduce_sum3A_400, %reduce_sum3A_401 [1, 2] : vector<1x128x1xf32> to vector<1xf32>
    %reduce_sum3A_403 = vector.shape_cast %reduce_sum3A_402 : vector<1xf32> to vector<1x1x1xf32>
    %reduce_sum3A_404 = vector.extract %reduce_sum3A_403[0, 0, 0] : f32 from vector<1x1x1xf32>
    %add3A_405 = arith.addf %add3A_353, %reduce_sum3A_404 : f32
    %jit3A_406 = arith.constant 1.000000e+00 : f32
    %jit3A_407 = arith.constant 0.000000e+00 : f32
    %broadcast_in_dim3A_408 = vector.broadcast %jit3A_406 : f32 to vector<128x1xf32>
    %broadcast_in_dim3A_409 = vector.broadcast %jit3A_407 : f32 to vector<128x1xf32>
    %select_n3A_410 = arith.select %and3A_392, %broadcast_in_dim3A_408, %broadcast_in_dim3A_409 : vector<128x1xi1>, vector<128x1xf32>
    %reduce_sum3A_411 = vector.shape_cast %select_n3A_410 : vector<128x1xf32> to vector<1x128x1xf32>
    %reduce_sum3A_412 = arith.constant dense<0.000000e+00> : vector<1xf32>
    %reduce_sum3A_413 = vector.multi_reduction <add>, %reduce_sum3A_411, %reduce_sum3A_412 [1, 2] : vector<1x128x1xf32> to vector<1xf32>
    %reduce_sum3A_414 = vector.shape_cast %reduce_sum3A_413 : vector<1xf32> to vector<1x1x1xf32>
    %reduce_sum3A_415 = vector.extract %reduce_sum3A_414[0, 0, 0] : f32 from vector<1x1x1xf32>
    %add3A_416 = arith.addf %add3A_364, %reduce_sum3A_415 : f32
    %get3A_417 = arith.constant 0 : index
    %get3A_418 = arith.constant 0 : index
    %get3A_419 = vector.load %arg2[%get3A_417, %get3A_418] : memref<1x128xf32, #tpu.memory_space<vmem>>, vector<1x128xf32>
    %reduce_sum3A_420 = vector.shape_cast %get3A_419 : vector<1x128xf32> to vector<1x1x128xf32>
    %reduce_sum3A_421 = arith.constant dense<0.000000e+00> : vector<1xf32>
    %reduce_sum3A_422 = vector.multi_reduction <add>, %reduce_sum3A_420, %reduce_sum3A_421 [1, 2] : vector<1x1x128xf32> to vector<1xf32>
    %reduce_sum3A_423 = vector.shape_cast %reduce_sum3A_422 : vector<1xf32> to vector<1x1x1xf32>
    %reduce_sum3A_424 = vector.extract %reduce_sum3A_423[0, 0, 0] : f32 from vector<1x1x1xf32>
    %sub3A = arith.subf %reduce_sum3A_424, %add3A_405 : f32
    %mul3A_425 = arith.constant 5.000000e-01 : f32
    %mul3A_426 = arith.mulf %mul3A_425, %sub3A : f32
    %eq3A = arith.constant 1.638400e+04 : f32
    %eq3A_427 = arith.cmpf oeq, %add3A_416, %eq3A : f32
    %jit3A_428 = arith.constant 0.000000e+00 : f32
    %select_n3A_429 = arith.select %eq3A_427, %jit3A_428, %mul3A_426 : f32
    %reshape3A = vector.broadcast %select_n3A_429 : f32 to vector<1x1xf32>
    %swap3A = arith.constant 0 : index
    %swap3A_430 = arith.constant 0 : index
    %swap3A_431 = vector.load %arg3[%swap3A, %swap3A_430] : memref<1x1xf32, #tpu.memory_space<vmem>>, vector<1x1xf32>
    tpu.vector_store %arg3[%swap3A, %swap3A_430], %reshape3A {strides = array<i32>} : memref<1x1xf32, #tpu.memory_space<vmem>>, vector<1x1xf32>,
    return
  }
}

</mosaic_0001>

<sc_bundles>
// kernel: kernel.5.cloned.1.call-start
scs
__scs_entry_jumppad:
0x0: {  	(pc) =	sbr.rel $0x88, $3  }
0x1: {  	(tag) =	ssettag $0x0;
	lr =	simm.s32 $0x1  }
0x2: {  	[smem:$0x3F9F] =	sst lr;
	_ =	strace $0xD0000000  }
0x3: {  	_ = 	snop  }
0x4: {  	_ = 	snop  }
0x5: {  	_ = 	snop  }
0x6: {  	_ = 	snop  }
0x7: {  	_ = 	snop  }
__scs_overlays_trampoline_lowered:
0x8: {  	[smem:$0x3FAE] =	sst s0  }
0x9: {  	[smem:$0x3FAF] =	sst s1  }
0xa: {  	[smem:$0x3FB0] =	sst s2  }
0xb: {  	[smem:$0x3FB1] =	sst s3  }
0xc: {  	[smem:$0x3FB2] =	sst s4  }
0xd: {  	[smem:$0x3FB3] =	sst s5  }
0xe: {  	[smem:$0x3FB4] =	sst s6  }
0xf: {  	[smem:$0x3FB5] =	sst s7  }
0x10: {  	[smem:$0x3FB6] =	sst s8  }
0x11: {  	[smem:$0x3FB7] =	sst s9;
	s0 =	simm.s32 @!p0 $0x0  }
0x12: {  	s1 =	sld [smem:$0x3F9D];
	s0 =	simm.s32 @p0 $0x1  }
0x13: {  	[smem:$0x3FB8] =	sst s0;
	s0 =	simm.s32 @!p1 $0x0  }
0x14: {  	s2 =	sld [smem:$0x3F9C];
	s0 =	simm.s32 @p1 $0x1  }
0x15: {  	[smem:$0x3FB9] =	sst s0;
	s0 =	simm.s32 @!p2 $0x0  }
0x16: {  	s3 =	sld [smem:$0x3FDB];
	s0 =	simm.s32 @p2 $0x1  }
0x17: {  	s4 =	simm.s32 $0x1BF5;
	[smem:$0x3FBB] =	sst s0  }
0x18: {  	s0 =	sld [smem:$0x3F9E];
	_ =	swait.ge [sflag:s4], $0x0  }
0x19: {  	s7 =	sld [smem:$0x3F9F]  }
0x1a: {  	s8 =	sadd.s32 $0xFFFFE003, lr  }
0x1b: {  	s9 =	sadd.s32 $0xFFFFFEF7, lr;
	s5 =	simm.s32 $0xFFFFFFFF;
	p2 =	slt.u32 s8, $0xFFFFF086  }
0x1c: {  	p1 =	slt.u32 s9, $0xF7A;
	s5 =	simm.s32 @!p2 $0x0  }
0x1d: {  	s5 =	simm.s32 @p1 $0x1;
	p0 =	seq.s32 s7, s2  }
0x1e: {  	s7 =	smul.u32 @!p0 $0xF7A, s2;
	p2 =	seq.s32 @!p0 s5, $0x0  }
0x1f: {  	s9 =	smul.u32 $0xF7A, s1;
	s8 =	simm.s32 @!p0 $0x1BF5;
	p2 =	por !p2, p0  }
0x20: {  	[sflag:s8] =	ssyncset.s32 @!p0 $0xFFFFF086;
	s6 =	sadd.s32 @!p0 s3, s7;
	s7 =	simm.s32 @!p0 $0x108  }
0x21: {  	s3 =	sadd.s32 s3, s9;
	s6 =	sadd.s32 @!p0 $0x88, s6;
	s7 =	simm.s32 @p2 $0x1082  }
0x22: {  	[simem:s7], [sflag:s8] =	dma.local @!p0 [hbm:s6], $0xF7A  }
0x23: {  	s9 =	sor.u32 $0xD0000000, s2;
	s6 =	simm.s32 $0x108;
	_ =	swait.ge @!p0 [sflag:s8], $0x0  }
0x24: {  	s3 =	sadd.s32 $0x88, s3;
	s6 =	simm.s32 @!p1 $0x1082;
	[sflag:s4] =	ssyncset.s32 $0xFFFFF086  }
0x25: {  	[simem:s6], [sflag:s4] =	dma.local [hbm:s3], $0xF7A  }
0x26: {  	[smem:$0x3F9F] =	sst s1;
	(tag) =	ssettag s2;
	_ =	strace s9  }
0x27: {  	s1 =	sld [smem:$0x3FAF]  }
0x28: {  	s2 =	sld [smem:$0x3FB0]  }
0x29: {  	s4 =	sld [smem:$0x3FB2]  }
0x2a: {  	p0 =	seq.s32 s5, $0x0;
	s5 =	sld [smem:$0x3FB3]  }
0x2b: {  	s6 =	sld [smem:$0x3FB4]  }
0x2c: {  	s7 =	sld [smem:$0x3FB5]  }
0x2d: {  	s3 =	simm.s32 $0x108;
	s8 =	sld [smem:$0x3FB6]  }
0x2e: {  	s3 =	simm.s32 @!p0 $0x1082;
	s9 =	sld [smem:$0x3FB7]  }
0x2f: {  	lr =	sadd.s32 s0, s3;
	s0 =	sld [smem:$0x3FAE]  }
0x30: {  	s3 =	sld [smem:$0x3FB1]  }
0x31: {  	[smem:$0x3FBA] =	sst s10  }
0x32: {  	s10 =	sld [smem:$0x3FB8];
	_ =	sdelay $0x3  }
0x33: {  	p0 =	seq.s32 s10, $0x1;
	s10 =	sld [smem:$0x3FBA];
	_ =	sdelay $0x3  }
0x34: {  	[smem:$0x3FBA] =	sst s10  }
0x35: {  	s10 =	sld [smem:$0x3FB9];
	_ =	sdelay $0x3  }
0x36: {  	p1 =	seq.s32 s10, $0x1;
	s10 =	sld [smem:$0x3FBA];
	_ =	sdelay $0x3  }
0x37: {  	[smem:$0x3FBA] =	sst s10  }
0x38: {  	s10 =	sld [smem:$0x3FBB]  }
0x39: {  	_ = 	snop;
	(pc) =	sbr.ind lr, $3  }
0x3a: {  	_ = 	snop  }
0x3b: {  	_ = 	snop  }
0x3c: {  	p2 =	seq.s32 s10, $0x1;
	s10 =	sld [smem:$0x3FBA]  }
0x3d: {  	_ =	shalt  }
0x3e: {  	_ =	shalt  }
0x3f: {  	_ =	shalt  }
0x40: {  	_ =	shalt  }
0x41: {  	_ =	shalt  }
0x42: {  	_ =	shalt  }
0x43: {  	_ =	shalt  }
0x44: {  	_ =	shalt  }
0x45: {  	_ =	shalt  }
0x46: {  	_ =	shalt  }
0x47: {  	_ =	shalt  }
0x48: {  	_ =	shalt  }
0x49: {  	_ =	shalt  }
0x4a: {  	_ =	shalt  }
0x4b: {  	_ =	shalt  }
0x4c: {  	_ =	shalt  }
0x4d: {  	_ =	shalt  }
0x4e: {  	_ =	shalt  }
0x4f: {  	_ =	shalt  }
0x50: {  	_ =	shalt  }
0x51: {  	_ =	shalt  }
0x52: {  	_ =	shalt  }
0x53: {  	_ =	shalt  }
0x54: {  	_ =	shalt  }
0x55: {  	_ =	shalt  }
0x56: {  	_ =	shalt  }
0x57: {  	_ =	shalt  }
0x58: {  	_ =	shalt  }
0x59: {  	_ =	shalt  }
0x5a: {  	_ =	shalt  }
0x5b: {  	_ =	shalt  }
0x5c: {  	_ =	shalt  }
0x5d: {  	_ =	shalt  }
0x5e: {  	_ =	shalt  }
0x5f: {  	_ =	shalt  }
0x60: {  	_ =	shalt  }
0x61: {  	_ =	shalt  }
0x62: {  	_ =	shalt  }
0x63: {  	_ =	shalt  }
0x64: {  	_ =	shalt  }
0x65: {  	_ =	shalt  }
0x66: {  	_ =	shalt  }
0x67: {  	_ =	shalt  }
0x68: {  	_ =	shalt  }
0x69: {  	_ =	shalt  }
0x6a: {  	_ =	shalt  }
0x6b: {  	_ =	shalt  }
0x6c: {  	_ =	shalt  }
0x6d: {  	_ =	shalt  }
0x6e: {  	_ =	shalt  }
0x6f: {  	_ =	shalt  }
0x70: {  	_ =	shalt  }
0x71: {  	_ =	shalt  }
0x72: {  	_ =	shalt  }
0x73: {  	_ =	shalt  }
0x74: {  	_ =	shalt  }
0x75: {  	_ =	shalt  }
0x76: {  	_ =	shalt  }
0x77: {  	_ =	shalt  }
0x78: {  	_ =	shalt  }
0x79: {  	_ =	shalt  }
0x7a: {  	_ =	shalt  }
0x7b: {  	_ =	shalt  }
0x7c: {  	_ =	shalt  }
0x7d: {  	_ =	shalt  }
0x7e: {  	_ =	shalt  }
0x7f: {  	_ =	shalt  }
0x80: {  	_ =	shalt  }
0x81: {  	_ =	shalt  }
0x82: {  	_ =	shalt  }
0x83: {  	_ =	shalt  }
0x84: {  	_ =	shalt  }
0x85: {  	_ =	shalt  }
0x86: {  	_ =	shalt  }
0x87: {  	_ =	shalt  }
.Lfunc_end0:
.L_simem_size_0:
called_computation_lowered:
.L_overlay_start_0:
0x88: {  	s2 =	sld [smem:$0x3FD9]  }
0x89: {  	s3 =	sld [smem:$0x3FFE];
	_ =	sdelay $0x1  }
0x8a: {  	s1 =	srdreg.scid  }
0x8b: {  	s0 =	sand.u32 $0x1, s1  }
0x8c: {  	s17 =	sshll.u32 s0, $0xA;
	s2 =	sadd.s32 s3, s2  }
0x8d: {  	s2 =	sadd.s32 s2, s17  }
0x8e: {  	[smem:$0x3FC6] =	sst s2  }
0x8f: {  	_ = 	snop  }
0x90: {  	s2 =	sld [smem:$0x3FC9]  }
0x91: {  	s18 =	sld [smem:$0x3FC8]  }
0x92: {  	s4 =	sld [smem:$0x3FD0];
	(tm) =	ssettm $0x1  }
0x93: {  	s5 =	sld [smem:$0x3FFB];
	_ =	sdelay $0x3  }
0x94: {  	_ =	strace s5  }
0x95: {  	s5 =	sld [smem:$0x3FFC];
	_ =	sdelay $0x3  }
0x96: {  	_ =	strace s5  }
0x97: {  	s5 =	sld [smem:$0x3FFD];
	_ =	sdelay $0x3  }
0x98: {  	_ =	strace s5  }
0x99: {  	_ =	strace $0x8FFFFFFF  }
0x9a: {  	s19 =	sld [smem:$0x3FDB];
	_ =	sdelay $0x1  }
0x9b: {  	s6 =	simm.s32 $_scs_section_size  }
0x9c: {  	s7 =	simm.s32 $_size__tile_overlayer_lowered;
	s8 =	simm.s32 $_tile_overlayer_lowered  }
0x9d: {  	s22 =	simm.s32 $0x1BFF;
	s21 =	sshll.u32 s8, $0x1;
	s5 =	sadd.s32 s6, s19  }
0x9e: {  	s9 =	simm.s32 $0x0;
	s20 =	sshll.u32 s7, $0x1;
	s7 =	sadd.s32 s21, s5  }
0x9f: {  	[timem:s9], [sflag:s22] =	dma.local [hbm:s7], s20  }
0xa0: {  	_ =	swait.ge [sflag:s22], s20  }
0xa1: {  	s6 =	ssub.s32 $0x0, s20;
	[sflag:s22] =	ssyncset.done $0x0  }
0xa2: {  	[sflag:s22] =	ssyncadd.s32 s6;
	_ =	sdelay $0x1  }
0xa3: {  	s23 =	simm.s32 $0x1B8B  }
0xa4: {  	_ =	swait.ge [sflag:s23], $0x1  }
0xa5: {  	[sflag:s23] =	ssyncset.done $0x0  }
0xa6: {  	s25 =	simm.s32 $0x1B8E;
	s24 =	sld [smem:$0x3FFE];
	[sflag:s23] =	ssyncadd.s32 $0xFFFFFFFF  }
0xa7: {  	s26 =	simm.s32 $execute0_lowered;
	[smem:$0x3FD2] =	sst s25  }
0xa8: {  	s7 =	sshll.u32 s26, $0x1;
	_ =	strace $0x80000046;
	[dreg:$0x1] =	wrdreg $0xFFFFFFFF  }
0xa9: {  	s28 =	simm.s32 $_size_execute0_lowered;
	s5 =	sadd.s32 s5, s7;
	[dreg:$0x0] =	wrdreg $0x0  }
0xaa: {  	s7 =	sshll.u32 s28, $0x1;
	[dreg:$0x2] =	wrdreg s5  }
0xab: {  	[dreg:$0x3] =	wrdreg s7  }
0xac: {  	[dreg:$0x4] =	wrdreg $0xC0  }
0xad: {  	_ =	task [dreg:s9], $0x5FFFF  }
0xae: {  	[dreg:$0x1] =	wrdreg $0xFFFFFFFF  }
0xaf: {  	[dreg:$0x0] =	wrdreg $0x60  }
0xb0: {  	[dreg:$0x2] =	wrdreg s2  }
0xb1: {  	[dreg:$0x3] =	wrdreg s18  }
0xb2: {  	[dreg:$0x4] =	wrdreg s24  }
0xb3: {  	[dreg:$0x5] =	wrdreg s4  }
0xb4: {  	[dreg:$0x6] =	wrdreg $0x0  }
0xb5: {  	[dreg:$0x7] =	wrdreg $0x20000  }
0xb6: {  	[dreg:$0x8] =	wrdreg $0x9  }
0xb7: {  	_ =	task.clear_ibuf [dreg:s9], $0x9FFFF;
	_ =	strace $0x90000046  }
0xb8: {  	s29 =	simm.s32 $0x9;
	_ =	strace $0x8000004D  }
0xb9: {  	_ =	swait.ge [sflag:s29], $0x1  }
0xba: {  	[sflag:s29] =	ssyncadd.s32 $0xFFFFFFFF  }
0xbb: {  	_ =	strace $0x9000004D  }
0xbc: {  	_ =	sfence  }
0xbd: {  	s30 =	sld [smem:$0x0];
	_ =	sdelay $0x2  }
0xbe: {  	s31 =	sshll.u32 s1, $0xD;
	s1 =	sshrl.u32 s1, $0x2  }
0xbf: {  	s3 =	sand.u32 $0x4000, s31;
	s1 =	sadd.s32 s1, s30  }
0xc0: {  	s0 =	sor.u32 s3, s0;
	s1 =	sshll.u32 s1, $0x11  }
0xc1: {  	s0 =	sor.u32 s1, s0  }
0xc2: {  	s0 =	sadd.s32 $0x8F2B, s0  }
0xc3: {  	[sflag:s0] =	ssyncadd.remote.s32 $0x1  }
0xc4: {  	_ =	sfence.sel $0xFFFF  }
0xc5: {  	[dreg:$0x0] =	wrdreg $0xFFFFFFFF;
	(pc) =	sbr.abs _section_cstart, $3  }
0xc6: {  	[dreg:$0x1] =	wrdreg $0xFFFFFFFF  }
0xc7: {  	_ =	task.clear_ibuf [dreg:s9], $0x2FFFF;
	_ =	strace $0x9FFFFFFF  }
0xc8: {  	(tm) =	ssettm $0x7FFFFFFF  }
0xc9: {  	_ =	shalt  }
tec
execute0_lowered:
.L_overlay_start_1:
0x0: {  	(tag) =	ssettag $0x1  }
0x1: {  	s0 =	rddreg [dreg:$0x0]  }
0x2: {  	s1 =	rddreg [dreg:$0x1]  }
0x3: {  	s3 =	rddreg [dreg:$0x2]  }
0x4: {  	s2 =	rddreg [dreg:$0x4]  }
0x5: {  	s23 =	rddreg [dreg:$0x5];
	s4 =	simm.s32 $0x0;
	s5 =	srdreg.scid  }
0x6: {  	s7 =	stileid.u32;
	s15 =	simm.s32 $0x2240;
	s16 =	simm.s32 $0x6240  }
0x7: {  	s17 =	simm.s32 $0xA240;
	s28 =	simm.s32 $0x1;
	s29 =	simm.s32 $0x80  }
0x8: {  	s30 =	simm.s32 $0x2;
	s31 =	simm.s32 $0x5;
	[smem:$0x7FF] =	sst s4  }
0x9: {  	s5 =	sand.u32 $0x1, s5;
	s6 =	sshll.u32 s7, $0x9;
	s14 =	sadd.s32 $0x1400, s3  }
0xa: {  	s11 =	sshll.u32 s7, $0xA;
	s25 =	sshll.u32 s7, $0xD;
	p0 =	sne.s32 s7, $0x0  }
0xb: {  	s26 =	sshll.u32 s7, $0x6;
	_ =	strace $0x80000047;
	s8 =	sshll.u32 s5, $0xD  }
0xc: {  	s12 =	sadd.s32 s11, s3;
	s18 =	ssub.s32 $0x2, s5;
	s9 =	sshll.u32 s5, $0x7  }
0xd: {  	s5 =	sshll.u32 s5, $0xE;
	s11 =	sadd.s32 s14, s11;
	s23 =	sshrl.u32 @!p0 s23, $0x3  }
0xe: {  	s10 =	sor.u32 s6, s8;
	s13 =	sshrl.u32 s18, $0x1;
	s19 =	sadd.s32 s9, s3  }
0xf: {  	s9 =	smov.u32 s14;
	s5 =	sadd.s32 s5, s12;
	s3 =	simm.s32 $0x4  }
0x10: {  	s6 =	sshll.u32 s10, $0x4;
	s20 =	ssub.s32 s18, s13;
	s10 =	sshrl.u32 s10, $0x3  }
0x11: {  	s12 =	sadd.s32 $0x5400, s5;
	s13 =	sadd.s32 $0xD400, s19;
	s18 =	simm.s32 $0xE240  }
0x12: {  	s19 =	simm.s32 $0x2040;
	s6 =	sadd.s32 s0, s6;
	s10 =	sadd.s32 s1, s10  }
0x13: {  	s1 =	sadd.s32 s25, s2;
	s14 =	smax.u32 s20, $0x1;
	s21 =	sadd.s32 $0x800, s6  }
0x14: {  	s20 =	simm.s32 $0x12640;
	s22 =	sadd.s32 $0x1000, s6;
	[dreg:$0x7] =	wrdreg s21  }
0x15: {  	s25 =	simm.s32 $0x12240;
	s24 =	sadd.s32 $0x1800, s6;
	[dreg:$0x8] =	wrdreg s22  }
0x16: {  	s0 =	simm.s32 $0x3;
	[dreg:$0x9] =	wrdreg s24;
	s21 =	sor.u32 $0x1C06, s26  }
0x17: {  	v0 =	vimm.f32 $0.0e+00;
	v1 =	vimm.f32 $1.000000000e+00;
	s22 =	sshrl.u32 s1, $0x3;
	s24 =	simm.s32 $0x6;
	s1 =	simm.s32 $0x0  }
.LBB2_1:
0x18: {  	[tilespmem:s15], [sflag:$0x1] =	stream.linear.gather [hbm4b:s6+s4], $0x4000, $0x38;
	[tilespmem:$0x126C0] =	vst v63  }
0x19: {  	s5 =	rddreg [dreg:$0x7]  }
0x1a: {  	[tilespmem:s16], [sflag:$0x2] =	stream.linear.gather [hbm4b:s5+s4], $0x4000, $0x38;
	[tilespmem:$0x126C0] =	vst v63  }
0x1b: {  	s26 =	rddreg [dreg:$0x8]  }
0x1c: {  	[tilespmem:s17], [sflag:$0x3] =	stream.linear.gather [hbm4b:s26+s4], $0x4000, $0x38;
	[tilespmem:$0x126C0] =	vst v63  }
0x1d: {  	s7 =	rddreg [dreg:$0x9]  }
0x1e: {  	[tilespmem:s18], [sflag:$0x4] =	stream.linear.gather [hbm4b:s7+s4], $0x4000, $0x38;
	[tilespmem:$0x126C0] =	vst v63  }
0x1f: {  	_ = 	snop  }
0x20: {  	[tilespmem:s19], [sflag:$0x6] =	stream.linear.gather [hbm4b:s10+s4], $0x200, $0x38;
	[tilespmem:$0x126C0] =	vst v63  }
0x21: {  	s8 =	rddreg [dreg:$0x3]  }
0x22: {  	[tilespmem:s20], [sflag:$0x6] =	stream.linear.gather [hbm4b:s8+s4], $0x80, $0x38;
	[tilespmem:$0x126C0] =	vst v63  }
0x23: {  	[tilespmem:$0x12240] =	vst v0  }
0x24: {  	[tilespmem:$0x12250] =	vst v0  }
0x25: {  	[tilespmem:$0x12260] =	vst v0  }
0x26: {  	[tilespmem:$0x12270] =	vst v0  }
0x27: {  	[tilespmem:$0x12280] =	vst v0  }
0x28: {  	[tilespmem:$0x12290] =	vst v0  }
0x29: {  	[tilespmem:$0x122A0] =	vst v0  }
0x2a: {  	[tilespmem:$0x122B0] =	vst v0  }
0x2b: {  	[tilespmem:$0x122C0] =	vst v0  }
0x2c: {  	[tilespmem:$0x122D0] =	vst v0  }
0x2d: {  	[tilespmem:$0x122E0] =	vst v0  }
0x2e: {  	[tilespmem:$0x122F0] =	vst v0  }
0x2f: {  	[tilespmem:$0x12300] =	vst v0  }
0x30: {  	[tilespmem:$0x12310] =	vst v0  }
0x31: {  	[tilespmem:$0x12320] =	vst v0  }
0x32: {  	[tilespmem:$0x12330] =	vst v0  }
0x33: {  	[tilespmem:$0x12340] =	vst v0  }
0x34: {  	[tilespmem:$0x12350] =	vst v0  }
0x35: {  	[tilespmem:$0x12360] =	vst v0  }
0x36: {  	[tilespmem:$0x12370] =	vst v0  }
0x37: {  	[tilespmem:$0x12380] =	vst v0  }
0x38: {  	[tilespmem:$0x12390] =	vst v0  }
0x39: {  	[tilespmem:$0x123A0] =	vst v0  }
0x3a: {  	[tilespmem:$0x123B0] =	vst v0  }
0x3b: {  	[tilespmem:$0x123C0] =	vst v0  }
0x3c: {  	[tilespmem:$0x123D0] =	vst v0  }
0x3d: {  	[tilespmem:$0x123E0] =	vst v0  }
0x3e: {  	[tilespmem:$0x123F0] =	vst v0  }
0x3f: {  	[tilespmem:$0x12400] =	vst v0  }
0x40: {  	[tilespmem:$0x12410] =	vst v0  }
0x41: {  	[tilespmem:$0x12420] =	vst v0  }
0x42: {  	[tilespmem:$0x12430] =	vst v0  }
0x43: {  	[tilespmem:$0x12440] =	vst v0  }
0x44: {  	[tilespmem:$0x12450] =	vst v0  }
0x45: {  	[tilespmem:$0x12460] =	vst v0  }
0x46: {  	[tilespmem:$0x12470] =	vst v0  }
0x47: {  	[tilespmem:$0x12480] =	vst v0  }
0x48: {  	[tilespmem:$0x12490] =	vst v0  }
0x49: {  	[tilespmem:$0x124A0] =	vst v0  }
0x4a: {  	[tilespmem:$0x124B0] =	vst v0  }
0x4b: {  	[tilespmem:$0x124C0] =	vst v0  }
0x4c: {  	[tilespmem:$0x124D0] =	vst v0  }
0x4d: {  	[tilespmem:$0x124E0] =	vst v0  }
0x4e: {  	[tilespmem:$0x124F0] =	vst v0  }
0x4f: {  	[tilespmem:$0x12500] =	vst v0  }
0x50: {  	[tilespmem:$0x12510] =	vst v0  }
0x51: {  	[tilespmem:$0x12520] =	vst v0  }
0x52: {  	[tilespmem:$0x12530] =	vst v0  }
0x53: {  	[tilespmem:$0x12540] =	vst v0  }
0x54: {  	[tilespmem:$0x12550] =	vst v0  }
0x55: {  	[tilespmem:$0x12560] =	vst v0  }
0x56: {  	[tilespmem:$0x12570] =	vst v0  }
0x57: {  	[tilespmem:$0x12580] =	vst v0  }
0x58: {  	[tilespmem:$0x12590] =	vst v0  }
0x59: {  	[tilespmem:$0x125A0] =	vst v0  }
0x5a: {  	[tilespmem:$0x125B0] =	vst v0  }
0x5b: {  	[tilespmem:$0x125C0] =	vst v0  }
0x5c: {  	[tilespmem:$0x125D0] =	vst v0  }
0x5d: {  	[tilespmem:$0x125E0] =	vst v0  }
0x5e: {  	[tilespmem:$0x125F0] =	vst v0  }
0x5f: {  	[tilespmem:$0x12600] =	vst v0  }
0x60: {  	[tilespmem:$0x12610] =	vst v0  }
0x61: {  	[tilespmem:$0x12620] =	vst v0  }
0x62: {  	[tilespmem:$0x12630] =	vst v0  }
0x63: {  	s5 =	simm.s32 @!p0 $0x6;
	_ =	strace $0x80000048  }
0x64: {  	[spmem:s22], [sflag:s21] =	dma.local [hbm:s11], $0x400  }
0x65: {  	[spmem:s23], [sflag:s21] =	dma.local @!p0 [hbm:s9], $0x80  }
0x66: {  	_ =	swait.ge @!p0 [sflag:s5], $0x80  }
0x67: {  	[sflag:s5] =	ssyncset.done @!p0 $0x0  }
0x68: {  	[sflag:s5] =	ssyncadd.s32 @!p0 $0xFFFFFF80  }
0x69: {  	_ =	swait.ge [sflag:s24], $0x400  }
0x6a: {  	[sflag:s24] =	ssyncset.done $0x0  }
0x6b: {  	[sflag:s24] =	ssyncadd.s32 $0xFFFFFC00  }
0x6c: {  	_ =	swait.ge [sflag:s24], $0x200  }
0x6d: {  	[sflag:s24] =	ssyncset.done $0x0  }
0x6e: {  	[sflag:s24] =	ssyncadd.s32 $0xFFFFFE00  }
0x6f: {  	_ =	swait.ge [sflag:s24], $0x80  }
0x70: {  	[sflag:s24] =	ssyncset.done $0x0  }
0x71: {  	s26 =	sand.u32 $0x600, s4;
	[sflag:s24] =	ssyncadd.s32 $0xFFFFFF80  }
0x72: {  	s7 =	sand.u32 $0x70, s4;
	s5 =	sshrl.u32 s26, $0x2;
	_ =	strace $0x90000048  }
0x73: {  	s5 =	sor.u32 s7, s5;
	_ =	strace $0x80000049  }
0x74: {  	v2 =	vld [tilespmem:s5+$0x2040];
	_ =	sdelay $0x4  }
0x75: {  	s26 =	simm.s32 $0x40  }
0x76: {  	s7 =	sand.u32 $0x600, s26;
	s26 =	simm.s32 $0x10;
	s5 =	simm.s32 $0x80  }
.LBB2_2:
0x77: {  	p1 =	sne.s32 s5, $0x7C0;
	s8 =	sand.u32 $0x70, s26;
	s7 =	sshrl.u32 s7, $0x2  }
0x78: {  	s7 =	sor.u32 s8, s7;
	[tilespmem:v2+s25+$0x0] =	vst.idx.add.f32.msk $0xffff, v1  }
0x79: {  	v2 =	vld [tilespmem:s7+$0x2040];
	_ =	sdelay $0x1  }
.Ltmp0:
0x7a: {  	(pc) =	sbr.rel @p1 .LBB2_2-.Ltmp0, $2  }
0x7b: {  	_ =	sdelay $0x2  }
0x7c: {  	s26 =	sadd.s32 $0x10, s26;
	s7 =	sand.u32 $0x600, s5;
	s5 =	sadd.s32 $0x40, s5  }
0x7d: {  	_ =	sdelay $0x2  }
0x7e: {  	s5 =	sand.u32 $0x70, s26;
	s7 =	sshrl.u32 s7, $0x2  }
0x7f: {  	[tilespmem:v2+s25+$0x0] =	vst.idx.add.f32.msk $0xffff, v1;
	s5 =	sor.u32 s5, s7  }
0x80: {  	v2 =	vld [tilespmem:s5+$0x2040];
	_ =	sdelay $0x7  }
0x81: {  	[tilespmem:v2+s25+$0x0] =	vst.idx.add.f32.msk $0xffff, v1  }
0x82: {  	[bflag:$0x0] =	sbarrier.arrive $0xFFFF  }
0x83: {  	s26 =	simm.s32 $0x8;
	s8 =	rddreg [dreg:$0x5]  }
0x84: {  	[spmem:s8] =	stream.indirect.scatter.add.f32 [tilespmem:s25], [sflag:$0x5], $0x80, s20, s26, $0x2000b8;
	[tilespmem:$0x126C0] =	vst v63  }
0x85: {  	_ =	strace $0x90000049  }
0x86: {  	_ =	strace $0x8000004A  }
0x87: {  	_ =	swait.ge [sflag:s28], $0x4000  }
0x88: {  	[sflag:s28] =	ssyncset.done $0x0  }
0x89: {  	[sflag:s28] =	ssyncadd.s32 $0xFFFFC000  }
0x8a: {  	[spmem:s2] =	stream.indirect.scatter.add.f32 [tilespmem:s15], [sflag:$0x5], $0x80, s19, s29, $0x2000b8;
	[tilespmem:$0x126C0] =	vst v63  }
0x8b: {  	_ =	swait.ge [sflag:s30], $0x4000  }
0x8c: {  	[sflag:s30] =	ssyncset.done $0x0  }
0x8d: {  	s7 =	simm.s32 $0x20C0;
	[sflag:s30] =	ssyncadd.s32 $0xFFFFC000  }
0x8e: {  	[spmem:s2] =	stream.indirect.scatter.add.f32 [tilespmem:s16], [sflag:$0x5], $0x80, s7, s29, $0x2000b8;
	[tilespmem:$0x126C0] =	vst v63  }
0x8f: {  	_ =	swait.ge [sflag:s0], $0x4000  }
0x90: {  	[sflag:s0] =	ssyncset.done $0x0  }
0x91: {  	s8 =	simm.s32 $0x2140;
	[sflag:s0] =	ssyncadd.s32 $0xFFFFC000  }
0x92: {  	[spmem:s2] =	stream.indirect.scatter.add.f32 [tilespmem:s17], [sflag:$0x5], $0x80, s8, s29, $0x2000b8;
	[tilespmem:$0x126C0] =	vst v63  }
0x93: {  	_ =	swait.ge [sflag:s3], $0x4000  }
0x94: {  	[sflag:s3] =	ssyncset.done $0x0  }
0x95: {  	s26 =	simm.s32 $0x21C0;
	[sflag:s3] =	ssyncadd.s32 $0xFFFFC000  }
0x96: {  	[spmem:s2] =	stream.indirect.scatter.add.f32 [tilespmem:s18], [sflag:$0x5], $0x80, s26, s29, $0x2000b8;
	[tilespmem:$0x126C0] =	vst v63  }
0x97: {  	_ =	strace $0x9000004A  }
0x98: {  	_ =	strace $0x8000004B  }
0x99: {  	_ =	swait.ge [sflag:s31], $0x400  }
0x9a: {  	[sflag:s31] =	ssyncset.done $0x0  }
0x9b: {  	[sflag:s31] =	ssyncadd.s32 $0xFFFFFC00  }
0x9c: {  	_ =	swait.ge [sflag:s31], $0x4000  }
0x9d: {  	[sflag:s31] =	ssyncset.done $0x0  }
0x9e: {  	[sflag:s31] =	ssyncadd.s32 $0xFFFFC000  }
0x9f: {  	_ =	swait.ge [sflag:s31], $0x4000  }
0xa0: {  	[sflag:s31] =	ssyncset.done $0x0  }
0xa1: {  	[sflag:s31] =	ssyncadd.s32 $0xFFFFC000  }
0xa2: {  	_ =	swait.ge [sflag:s31], $0x4000  }
0xa3: {  	[sflag:s31] =	ssyncset.done $0x0  }
0xa4: {  	[sflag:s31] =	ssyncadd.s32 $0xFFFFC000  }
0xa5: {  	_ =	swait.ge [sflag:s31], $0x4000  }
0xa6: {  	[sflag:s31] =	ssyncset.done $0x0  }
0xa7: {  	[sflag:s31] =	ssyncadd.s32 $0xFFFFC000  }
0xa8: {  	[bflag:$0x0] =	sbarrier.arrive $0xFFFF  }
0xa9: {  	_ =	strace $0x9000004B  }
0xaa: {  	s5 =	simm.s32 @!p0 $0x6;
	_ =	strace $0x8000004C  }
0xab: {  	[hbm:s12], [sflag:s21] =	dma.local [spmem:s22], $0x400  }
0xac: {  	[hbm:s13], [sflag:s21] =	dma.local @!p0 [spmem:s23], $0x80  }
0xad: {  	s1 =	sadd.s32 $0x1, s1;
	_ =	swait.ge @!p0 [sflag:s5], $0x80  }
0xae: {  	p1 =	sne.s32 s1, s14;
	[sflag:s5] =	ssyncset.done @!p0 $0x0  }
.Ltmp1:
0xaf: {  	[sflag:s5] =	ssyncadd.s32 @!p0 $0xFFFFFF80;
	(pc) =	sbr.rel @p1 .LBB2_1-.Ltmp1, $4  }
0xb0: {  	_ =	swait.ge [sflag:s24], $0x400  }
0xb1: {  	[sflag:s24] =	ssyncset.done $0x0  }
0xb2: {  	[sflag:s24] =	ssyncadd.s32 $0xFFFFFC00  }
0xb3: {  	_ =	strace $0x9000004C  }
0xb4: {  	_ =	sfence.sel $0x180000  }
0xb5: {  	[bflag:$0x0] =	sbarrier.arrive $0xFFFF  }
0xb6: {  	_ =	strace $0x90000047  }
0xb7: {  	[bflag:$0x2] =	sbarrier.arrive $0xFFFF  }
0xb8: {  	s0 =	rddreg [dreg:$0x6]  }
0xb9: {  	s0 =	sadd.s32 @!p0 $0x100000, s0  }
0xba: {  	[sflag:s0] =	ssyncadd.tile.s32 @!p0 $0x1;
	_ =	shalt  }
.Lfunc_end2:
_tile_overlayer_lowered:
.L_overlay_start_2:
0xbb: {  	(tag) =	ssettag $0x2  }
0xbc: {  	s0 =	rddreg [dreg:$0x0];
	s2 =	stileid.u32  }
0xbd: {  	s1 =	rddreg [dreg:$0x1];
	p0 =	sne.s32 s2, $0x0  }
0xbe: {  	s3 =	rddreg [dreg:$0x2];
	[bflag:$0x3] =	sbarrier.arrive $0xFFFF;
	s2 =	simm.s32 @!p0 $0x1C07  }
0xbf: {  	[timem:s3], [sflag:s2] =	dma.local @!p0 [hbm:s0], s1  }
0xc0: {  	s0 =	simm.s32 @!p0 $0x7  }
0xc1: {  	_ =	swait.ge @!p0 [sflag:s0], s1  }
0xc2: {  	s1 =	ssub.s32 @!p0 $0x0, s1;
	[sflag:s0] =	ssyncset.done @!p0 $0x0  }
0xc3: {  	[sflag:s0] =	ssyncadd.s32 @!p0 s1  }
0xc4: {  	[bflag:$0x3] =	sbarrier.arrive $0xFFFF  }
0xc5: {  	_ =	shalt  }

</sc_bundles>
